<compile_context>
chip_gen: v7x
topology: tpu7x:2x2x1
jax: 0.10.2.dev20260603
libtpu: 0.0.44.dev20260713+nightly
codegen_flags: <defaults>
</compile_context>

<pallas_src>
import functools

import jax
import jax.numpy as jnp
from jax import lax
from jax.experimental import pallas as pl
from jax.experimental.pallas import tpu as pltpu
from jax.experimental.pallas import tpu_sc as plsc

N = 1_000_000
B = 16_384
NC = 2
NS = 16
NW = NC * NS
TSUM = 62_464
NCH = 2
CH = TSUM // NCH
TAIL = N - NS * TSUM
BPW = B // NW

_LN2 = 0.6931471805599453
_SQRT2 = 1.4142135623730951

_mesh = plsc.VectorSubcoreMesh(core_axis_name="c", subcore_axis_name="s")


def _vlog(x):
    bits = lax.bitcast_convert_type(x, jnp.int32)
    e = lax.shift_right_logical(bits, 23) - 127
    m = lax.bitcast_convert_type((bits & 0x7FFFFF) | 0x3F800000, jnp.float32)
    big = m >= _SQRT2
    m = jnp.where(big, m * 0.5, m)
    ef = (e + jnp.where(big, 1, 0)).astype(jnp.float32)
    s = (m - 1.0) / (m + 1.0)
    z = s * s
    p = 2.0 * s * (1.0 + z * (1.0 / 3.0 + z * (1.0 / 5.0 + z * (1.0 / 7.0))))
    return ef * _LN2 + p


@functools.partial(
    pl.kernel,
    mesh=_mesh,
    out_type=jax.ShapeDtypeStruct((B,), jnp.float32),
    scratch_types=[
        pltpu.VMEM((CH,), jnp.float32),
        pltpu.VMEM((CH,), jnp.float32),
        pltpu.VMEM((TAIL,), jnp.float32),
        pltpu.VMEM((16,), jnp.float32),
        pltpu.VMEM((NS * 16,), jnp.float32),
        pltpu.VMEM((BPW,), jnp.int32),
        pltpu.VMEM((BPW,), jnp.float32),
        pltpu.VMEM((BPW,), jnp.float32),
        pltpu.VMEM_SHARED((NS * 16,), jnp.float32),
        pltpu.SemaphoreType.DMA,
        pltpu.SemaphoreType.DMA,
        pltpu.SemaphoreType.DMA,
    ],
)
def _sc_logprob(probs_hbm, idx_hbm, out_hbm,
                buf0, buf1, tailbuf, acc_v, part_v, idx_v, vals_v,
                out_v, shared, sem0, sem1, gsem):
    cid = lax.axis_index("c")
    sid = lax.axis_index("s")
    wid = sid * NC + cid

    base = sid * TSUM
    bufs, sems = [buf0, buf1], [sem0, sem1]
    copies = [None, None]
    copies[0] = pltpu.async_copy(probs_hbm.at[pl.ds(base, CH)], buf0, sem0)

    gbase = wid * BPW
    pltpu.sync_copy(idx_hbm.at[pl.ds(gbase, BPW)], idx_v)
    gather = pltpu.async_copy(probs_hbm.at[idx_v], vals_v, gsem)
    accs = tuple(jnp.zeros((16,), jnp.float32) for _ in range(8))
    for k in range(NCH):
        if k + 1 < NCH:
            copies[(k + 1) % 2] = pltpu.async_copy(
                probs_hbm.at[pl.ds(base + (k + 1) * CH, CH)],
                bufs[(k + 1) % 2], sems[(k + 1) % 2])
        copies[k % 2].wait()
        buf = bufs[k % 2]

        def body(i, a, buf=buf):
            o = i * 128
            return tuple(a[j] + buf[pl.ds(o + j * 16, 16)] for j in range(8))

        accs = lax.fori_loop(0, CH // 128, body, accs)

    acc = ((accs[0] + accs[1]) + (accs[2] + accs[3])) + \
          ((accs[4] + accs[5]) + (accs[6] + accs[7]))
    acc_v[...] = acc

    @pl.when(sid == NS - 1)
    def _():
        pltpu.sync_copy(probs_hbm.at[pl.ds(NS * TSUM, TAIL)], tailbuf)
        t = jnp.zeros((16,), jnp.float32)
        for j in range(TAIL // 16):
            t = t + tailbuf[pl.ds(j * 16, 16)]
        acc_v[...] = acc_v[...] + t

    gather.wait()

    pltpu.sync_copy(acc_v, shared.at[pl.ds(sid * 16, 16)])
    plsc.subcore_barrier()
    pltpu.sync_copy(shared, part_v)
    tot16 = part_v[pl.ds(0, 16)]
    for r in range(1, NS):
        tot16 = tot16 + part_v[pl.ds(r * 16, 16)]
    s = tot16[0]
    for j in range(1, 16):
        s = s + tot16[j]
    log_tot = _vlog(jnp.zeros((16,), jnp.float32) + s)

    def gbody(i, carry):
        x = vals_v[pl.ds(i * 16, 16)]
        out_v[pl.ds(i * 16, 16)] = _vlog(x) - log_tot
        return carry

    lax.fori_loop(0, BPW // 16, gbody, 0)
    pltpu.sync_copy(out_v, out_hbm.at[pl.ds(gbase, BPW)])


@jax.jit
def kernel(probs, indices):
    return _sc_logprob(probs, indices.astype(jnp.int32))

# --- scband reference (transcript-rebuilt; emitter-appended) ---
"""Pipeline reference for scband-log-uniform-sampler-31439160607171 (READ-ONLY COPY).

The authoritative reference and input builder live on the scoring server;
editing this copy changes nothing except your own understanding.
"""

import jax, jax.numpy as jnp
import numpy as np

NUM_CLASSES = 1000000


def _build_probs():
    ws = jnp.arange(NUM_CLASSES, dtype=jnp.float32)
    d = (jnp.log1p(ws + 1.0) - jnp.log1p(ws)) / jnp.log1p(jnp.float32(NUM_CLASSES))
    d = jnp.clip(d, 1e-10, None)
    d = d / d.sum()
    return d


def setup_inputs(seed: int = 0) -> dict:
    key = jax.random.key(seed)
    indices = jax.random.randint(key, (16384,), 0, NUM_CLASSES)
    probs = _build_probs()
    return {"probs": probs, "indices": indices}


def reference(probs, indices):
    # torch.distributions.Categorical(probs=p).log_prob(idx)
    # == log(p / p.sum())[idx]
    p = probs / probs.sum()
    logits = jnp.log(p)
    return jnp.take(logits, indices, axis=0)

if __name__ == "__main__":
    import jax
    _d = setup_inputs()
    print(jax.jit(kernel)(*tuple(_d.values())))

</pallas_src>

<mosaic_0001>
#map = affine_map<(d0, d1) -> (0)>
module attributes {stable_mosaic.version = 14 : i64} {
  func.func @_sc_logprob(%arg0: i32, %arg1: i32, %arg2: memref<1000000xf32, #tpu.memory_space<hbm>>, %arg3: memref<16384xi32, #tpu.memory_space<hbm>>, %arg4: memref<16384xf32, #tpu.memory_space<hbm>>, %arg5: memref<31232xf32, #tpu.memory_space<vmem>>, %arg6: memref<31232xf32, #tpu.memory_space<vmem>>, %arg7: memref<576xf32, #tpu.memory_space<vmem>>, %arg8: memref<16xf32, #tpu.memory_space<vmem>>, %arg9: memref<256xf32, #tpu.memory_space<vmem>>, %arg10: memref<512xi32, #tpu.memory_space<vmem>>, %arg11: memref<512xf32, #tpu.memory_space<vmem>>, %arg12: memref<512xf32, #tpu.memory_space<vmem>>, %arg13: memref<256xf32, #tpu.memory_space<vmem_shared>>, %arg14: memref<!tpu.dma_semaphore, #tpu.memory_space<semaphore_mem>>, %arg15: memref<!tpu.dma_semaphore, #tpu.memory_space<semaphore_mem>>, %arg16: memref<!tpu.dma_semaphore, #tpu.memory_space<semaphore_mem>>) attributes {dimension_semantics = [#tpu.dimension_semantics<core_parallel>, #tpu.dimension_semantics<subcore_parallel>], iteration_bounds = array<i64: 2, 16>, scalar_prefetch = 0 : i64, scratch_operands = 12 : i64, tpu.core_type = #tpu.core_type<sc_vector_subcore>, window_params = [{transform_indices = #map}, {transform_indices = #map}, {transform_indices = #map}]} {
    %mul3A = arith.constant 2 : i32
    %mul3A_0 = arith.muli %arg1, %mul3A : i32
    %add3A = arith.addi %mul3A_0, %arg0 : i32
    %mul3A_1 = arith.constant 62464 : i32
    %mul3A_2 = arith.muli %arg1, %mul3A_1 : i32
    %dma_start3A = tpu.memref_slice %arg2[%mul3A_2] : memref<1000000xf32, #tpu.memory_space<hbm>> -> memref<31232xf32, #tpu.memory_space<hbm>>
    %dma_start3A_3 = tpu.memref_slice %arg2[%mul3A_2] : memref<1000000xf32, #tpu.memory_space<hbm>> -> memref<31232xf32, #tpu.memory_space<hbm>>
    tpu.enqueue_dma source(%dma_start3A_3 : memref<31232xf32, #tpu.memory_space<hbm>>) target(%arg5 : memref<31232xf32, #tpu.memory_space<vmem>>) target_semaphore(%arg14 : memref<!tpu.dma_semaphore, #tpu.memory_space<semaphore_mem>>)
    %mul3A_4 = arith.constant 512 : i32
    %mul3A_5 = arith.muli %add3A, %mul3A_4 : i32
    "tpu.region"() ({
      %run_scoped3A = tpu.sem_alloc : memref<!tpu.dma_semaphore, #tpu.memory_space<semaphore_mem>>
      %dma_start3A_223 = tpu.memref_slice %arg3[%mul3A_5] : memref<16384xi32, #tpu.memory_space<hbm>> -> memref<512xi32, #tpu.memory_space<hbm>>
      %dma_start3A_224 = tpu.memref_slice %arg3[%mul3A_5] : memref<16384xi32, #tpu.memory_space<hbm>> -> memref<512xi32, #tpu.memory_space<hbm>>
      tpu.enqueue_dma source(%dma_start3A_224 : memref<512xi32, #tpu.memory_space<hbm>>) target(%arg10 : memref<512xi32, #tpu.memory_space<vmem>>) target_semaphore(%run_scoped3A : memref<!tpu.dma_semaphore, #tpu.memory_space<semaphore_mem>>)
      %dma_wait3A_225 = tpu.memref_slice %arg3[%mul3A_5] : memref<16384xi32, #tpu.memory_space<hbm>> -> memref<512xi32, #tpu.memory_space<hbm>>
      %dma_wait3A_226 = tpu.memref_slice %arg3[%mul3A_5] : memref<16384xi32, #tpu.memory_space<hbm>> -> memref<512xi32, #tpu.memory_space<hbm>>
      tpu.wait_dma2 semaphore(%run_scoped3A : memref<!tpu.dma_semaphore, #tpu.memory_space<semaphore_mem>>) src(%dma_wait3A_226 : memref<512xi32, #tpu.memory_space<hbm>>) dst(%arg10 : memref<512xi32, #tpu.memory_space<vmem>>)
      tpu.yield
    }) : () -> ()
    %dma_start3A_6 = arith.constant 0 : i32
    %dma_start3A_7 = tpu.memref_slice %arg2[%dma_start3A_6] : memref<1000000xf32, #tpu.memory_space<hbm>> -> memref<1000000xf32, #tpu.memory_space<hbm>>
    tpu.enqueue_indirect_dma source(%dma_start3A_7 : memref<1000000xf32, #tpu.memory_space<hbm>>) target(%arg11 : memref<512xf32, #tpu.memory_space<vmem>>) offsets(%arg10 : memref<512xi32, #tpu.memory_space<vmem>>) semaphore(%arg16 : memref<!tpu.dma_semaphore, #tpu.memory_space<semaphore_mem>>)
    %broadcast_in_dim3A = arith.constant 0.000000e+00 : f32
    %broadcast_in_dim3A_8 = vector.broadcast %broadcast_in_dim3A : f32 to vector<16xf32>
    %broadcast_in_dim3A_9 = arith.constant 0.000000e+00 : f32
    %broadcast_in_dim3A_10 = vector.broadcast %broadcast_in_dim3A_9 : f32 to vector<16xf32>
    %broadcast_in_dim3A_11 = arith.constant 0.000000e+00 : f32
    %broadcast_in_dim3A_12 = vector.broadcast %broadcast_in_dim3A_11 : f32 to vector<16xf32>
    %broadcast_in_dim3A_13 = arith.constant 0.000000e+00 : f32
    %broadcast_in_dim3A_14 = vector.broadcast %broadcast_in_dim3A_13 : f32 to vector<16xf32>
    %broadcast_in_dim3A_15 = arith.constant 0.000000e+00 : f32
    %broadcast_in_dim3A_16 = vector.broadcast %broadcast_in_dim3A_15 : f32 to vector<16xf32>
    %broadcast_in_dim3A_17 = arith.constant 0.000000e+00 : f32
    %broadcast_in_dim3A_18 = vector.broadcast %broadcast_in_dim3A_17 : f32 to vector<16xf32>
    %broadcast_in_dim3A_19 = arith.constant 0.000000e+00 : f32
    %broadcast_in_dim3A_20 = vector.broadcast %broadcast_in_dim3A_19 : f32 to vector<16xf32>
    %broadcast_in_dim3A_21 = arith.constant 0.000000e+00 : f32
    %broadcast_in_dim3A_22 = vector.broadcast %broadcast_in_dim3A_21 : f32 to vector<16xf32>
    %add3A_23 = arith.constant 31232 : i32
    %add3A_24 = arith.addi %mul3A_2, %add3A_23 : i32
    %dma_start3A_25 = tpu.memref_slice %arg2[%add3A_24] : memref<1000000xf32, #tpu.memory_space<hbm>> -> memref<31232xf32, #tpu.memory_space<hbm>>
    %dma_start3A_26 = tpu.memref_slice %arg2[%add3A_24] : memref<1000000xf32, #tpu.memory_space<hbm>> -> memref<31232xf32, #tpu.memory_space<hbm>>
    tpu.enqueue_dma source(%dma_start3A_26 : memref<31232xf32, #tpu.memory_space<hbm>>) target(%arg6 : memref<31232xf32, #tpu.memory_space<vmem>>) target_semaphore(%arg15 : memref<!tpu.dma_semaphore, #tpu.memory_space<semaphore_mem>>)
    %dma_wait3A = tpu.memref_slice %arg2[%mul3A_2] : memref<1000000xf32, #tpu.memory_space<hbm>> -> memref<31232xf32, #tpu.memory_space<hbm>>
    %dma_wait3A_27 = tpu.memref_slice %arg2[%mul3A_2] : memref<1000000xf32, #tpu.memory_space<hbm>> -> memref<31232xf32, #tpu.memory_space<hbm>>
    tpu.wait_dma2 semaphore(%arg14 : memref<!tpu.dma_semaphore, #tpu.memory_space<semaphore_mem>>) src(%dma_wait3A_27 : memref<31232xf32, #tpu.memory_space<hbm>>) dst(%arg5 : memref<31232xf32, #tpu.memory_space<vmem>>)
    %scan3A = arith.constant 0 : i32
    %scan3A_28 = arith.constant 244 : i32
    %scan3A_29 = arith.addi %scan3A, %scan3A_28 : i32
    %scan3A_30 = arith.constant 1 : i32
    %scan3A_31:8 = scf.for %scan3A_223 = %scan3A to %scan3A_29 step %scan3A_30 iter_args(%scan3A_224 = %broadcast_in_dim3A_8, %scan3A_225 = %broadcast_in_dim3A_10, %scan3A_226 = %broadcast_in_dim3A_12, %scan3A_227 = %broadcast_in_dim3A_14, %scan3A_228 = %broadcast_in_dim3A_16, %scan3A_229 = %broadcast_in_dim3A_18, %scan3A_230 = %broadcast_in_dim3A_20, %scan3A_231 = %broadcast_in_dim3A_22) -> (vector<16xf32>, vector<16xf32>, vector<16xf32>, vector<16xf32>, vector<16xf32>, vector<16xf32>, vector<16xf32>, vector<16xf32>)  : i32 {
      %mul3A_232 = arith.constant 128 : i32
      %mul3A_233 = arith.muli %scan3A_223, %mul3A_232 : i32
      %add3A_234 = arith.constant 0 : i32
      %add3A_235 = arith.addi %mul3A_233, %add3A_234 : i32
      %get3A_236 = arith.index_cast %add3A_235 : i32 to index
      %get3A_237 = tpu.vector_load %arg5[%get3A_236] {strides = array<i32>} : memref<31232xf32, #tpu.memory_space<vmem>>, vector<16xf32>,
      %get3A_238 = vector.shape_cast %get3A_237 : vector<16xf32> to vector<16xf32>
      %add3A_239 = arith.addf %scan3A_224, %get3A_238 : vector<16xf32>
      %add3A_240 = arith.constant 16 : i32
      %add3A_241 = arith.addi %mul3A_233, %add3A_240 : i32
      %get3A_242 = arith.index_cast %add3A_241 : i32 to index
      %get3A_243 = tpu.vector_load %arg5[%get3A_242] {strides = array<i32>} : memref<31232xf32, #tpu.memory_space<vmem>>, vector<16xf32>,
      %get3A_244 = vector.shape_cast %get3A_243 : vector<16xf32> to vector<16xf32>
      %add3A_245 = arith.addf %scan3A_225, %get3A_244 : vector<16xf32>
      %add3A_246 = arith.constant 32 : i32
      %add3A_247 = arith.addi %mul3A_233, %add3A_246 : i32
      %get3A_248 = arith.index_cast %add3A_247 : i32 to index
      %get3A_249 = tpu.vector_load %arg5[%get3A_248] {strides = array<i32>} : memref<31232xf32, #tpu.memory_space<vmem>>, vector<16xf32>,
      %get3A_250 = vector.shape_cast %get3A_249 : vector<16xf32> to vector<16xf32>
      %add3A_251 = arith.addf %scan3A_226, %get3A_250 : vector<16xf32>
      %add3A_252 = arith.constant 48 : i32
      %add3A_253 = arith.addi %mul3A_233, %add3A_252 : i32
      %get3A_254 = arith.index_cast %add3A_253 : i32 to index
      %get3A_255 = tpu.vector_load %arg5[%get3A_254] {strides = array<i32>} : memref<31232xf32, #tpu.memory_space<vmem>>, vector<16xf32>,
      %get3A_256 = vector.shape_cast %get3A_255 : vector<16xf32> to vector<16xf32>
      %add3A_257 = arith.addf %scan3A_227, %get3A_256 : vector<16xf32>
      %add3A_258 = arith.constant 64 : i32
      %add3A_259 = arith.addi %mul3A_233, %add3A_258 : i32
      %get3A_260 = arith.index_cast %add3A_259 : i32 to index
      %get3A_261 = tpu.vector_load %arg5[%get3A_260] {strides = array<i32>} : memref<31232xf32, #tpu.memory_space<vmem>>, vector<16xf32>,
      %get3A_262 = vector.shape_cast %get3A_261 : vector<16xf32> to vector<16xf32>
      %add3A_263 = arith.addf %scan3A_228, %get3A_262 : vector<16xf32>
      %add3A_264 = arith.constant 80 : i32
      %add3A_265 = arith.addi %mul3A_233, %add3A_264 : i32
      %get3A_266 = arith.index_cast %add3A_265 : i32 to index
      %get3A_267 = tpu.vector_load %arg5[%get3A_266] {strides = array<i32>} : memref<31232xf32, #tpu.memory_space<vmem>>, vector<16xf32>,
      %get3A_268 = vector.shape_cast %get3A_267 : vector<16xf32> to vector<16xf32>
      %add3A_269 = arith.addf %scan3A_229, %get3A_268 : vector<16xf32>
      %add3A_270 = arith.constant 96 : i32
      %add3A_271 = arith.addi %mul3A_233, %add3A_270 : i32
      %get3A_272 = arith.index_cast %add3A_271 : i32 to index
      %get3A_273 = tpu.vector_load %arg5[%get3A_272] {strides = array<i32>} : memref<31232xf32, #tpu.memory_space<vmem>>, vector<16xf32>,
      %get3A_274 = vector.shape_cast %get3A_273 : vector<16xf32> to vector<16xf32>
      %add3A_275 = arith.addf %scan3A_230, %get3A_274 : vector<16xf32>
      %add3A_276 = arith.constant 112 : i32
      %add3A_277 = arith.addi %mul3A_233, %add3A_276 : i32
      %get3A_278 = arith.index_cast %add3A_277 : i32 to index
      %get3A_279 = tpu.vector_load %arg5[%get3A_278] {strides = array<i32>} : memref<31232xf32, #tpu.memory_space<vmem>>, vector<16xf32>,
      %get3A_280 = vector.shape_cast %get3A_279 : vector<16xf32> to vector<16xf32>
      %add3A_281 = arith.addf %scan3A_231, %get3A_280 : vector<16xf32>
      scf.yield %add3A_239, %add3A_245, %add3A_251, %add3A_257, %add3A_263, %add3A_269, %add3A_275, %add3A_281 : vector<16xf32>, vector<16xf32>, vector<16xf32>, vector<16xf32>, vector<16xf32>, vector<16xf32>, vector<16xf32>, vector<16xf32>
    }
    %scan3A_32 = arith.constant 244 : i32
    %dma_wait3A_33 = tpu.memref_slice %arg2[%add3A_24] : memref<1000000xf32, #tpu.memory_space<hbm>> -> memref<31232xf32, #tpu.memory_space<hbm>>
    %dma_wait3A_34 = tpu.memref_slice %arg2[%add3A_24] : memref<1000000xf32, #tpu.memory_space<hbm>> -> memref<31232xf32, #tpu.memory_space<hbm>>
    tpu.wait_dma2 semaphore(%arg15 : memref<!tpu.dma_semaphore, #tpu.memory_space<semaphore_mem>>) src(%dma_wait3A_34 : memref<31232xf32, #tpu.memory_space<hbm>>) dst(%arg6 : memref<31232xf32, #tpu.memory_space<vmem>>)
    %scan3A_35 = arith.constant 0 : i32
    %scan3A_36 = arith.constant 244 : i32
    %scan3A_37 = arith.addi %scan3A_35, %scan3A_36 : i32
    %scan3A_38 = arith.constant 1 : i32
    %scan3A_39:8 = scf.for %scan3A_223 = %scan3A_35 to %scan3A_37 step %scan3A_38 iter_args(%scan3A_224 = %scan3A_31#0, %scan3A_225 = %scan3A_31#1, %scan3A_226 = %scan3A_31#2, %scan3A_227 = %scan3A_31#3, %scan3A_228 = %scan3A_31#4, %scan3A_229 = %scan3A_31#5, %scan3A_230 = %scan3A_31#6, %scan3A_231 = %scan3A_31#7) -> (vector<16xf32>, vector<16xf32>, vector<16xf32>, vector<16xf32>, vector<16xf32>, vector<16xf32>, vector<16xf32>, vector<16xf32>)  : i32 {
      %mul3A_232 = arith.constant 128 : i32
      %mul3A_233 = arith.muli %scan3A_223, %mul3A_232 : i32
      %add3A_234 = arith.constant 0 : i32
      %add3A_235 = arith.addi %mul3A_233, %add3A_234 : i32
      %get3A_236 = arith.index_cast %add3A_235 : i32 to index
      %get3A_237 = tpu.vector_load %arg6[%get3A_236] {strides = array<i32>} : memref<31232xf32, #tpu.memory_space<vmem>>, vector<16xf32>,
      %get3A_238 = vector.shape_cast %get3A_237 : vector<16xf32> to vector<16xf32>
      %add3A_239 = arith.addf %scan3A_224, %get3A_238 : vector<16xf32>
      %add3A_240 = arith.constant 16 : i32
      %add3A_241 = arith.addi %mul3A_233, %add3A_240 : i32
      %get3A_242 = arith.index_cast %add3A_241 : i32 to index
      %get3A_243 = tpu.vector_load %arg6[%get3A_242] {strides = array<i32>} : memref<31232xf32, #tpu.memory_space<vmem>>, vector<16xf32>,
      %get3A_244 = vector.shape_cast %get3A_243 : vector<16xf32> to vector<16xf32>
      %add3A_245 = arith.addf %scan3A_225, %get3A_244 : vector<16xf32>
      %add3A_246 = arith.constant 32 : i32
      %add3A_247 = arith.addi %mul3A_233, %add3A_246 : i32
      %get3A_248 = arith.index_cast %add3A_247 : i32 to index
      %get3A_249 = tpu.vector_load %arg6[%get3A_248] {strides = array<i32>} : memref<31232xf32, #tpu.memory_space<vmem>>, vector<16xf32>,
      %get3A_250 = vector.shape_cast %get3A_249 : vector<16xf32> to vector<16xf32>
      %add3A_251 = arith.addf %scan3A_226, %get3A_250 : vector<16xf32>
      %add3A_252 = arith.constant 48 : i32
      %add3A_253 = arith.addi %mul3A_233, %add3A_252 : i32
      %get3A_254 = arith.index_cast %add3A_253 : i32 to index
      %get3A_255 = tpu.vector_load %arg6[%get3A_254] {strides = array<i32>} : memref<31232xf32, #tpu.memory_space<vmem>>, vector<16xf32>,
      %get3A_256 = vector.shape_cast %get3A_255 : vector<16xf32> to vector<16xf32>
      %add3A_257 = arith.addf %scan3A_227, %get3A_256 : vector<16xf32>
      %add3A_258 = arith.constant 64 : i32
      %add3A_259 = arith.addi %mul3A_233, %add3A_258 : i32
      %get3A_260 = arith.index_cast %add3A_259 : i32 to index
      %get3A_261 = tpu.vector_load %arg6[%get3A_260] {strides = array<i32>} : memref<31232xf32, #tpu.memory_space<vmem>>, vector<16xf32>,
      %get3A_262 = vector.shape_cast %get3A_261 : vector<16xf32> to vector<16xf32>
      %add3A_263 = arith.addf %scan3A_228, %get3A_262 : vector<16xf32>
      %add3A_264 = arith.constant 80 : i32
      %add3A_265 = arith.addi %mul3A_233, %add3A_264 : i32
      %get3A_266 = arith.index_cast %add3A_265 : i32 to index
      %get3A_267 = tpu.vector_load %arg6[%get3A_266] {strides = array<i32>} : memref<31232xf32, #tpu.memory_space<vmem>>, vector<16xf32>,
      %get3A_268 = vector.shape_cast %get3A_267 : vector<16xf32> to vector<16xf32>
      %add3A_269 = arith.addf %scan3A_229, %get3A_268 : vector<16xf32>
      %add3A_270 = arith.constant 96 : i32
      %add3A_271 = arith.addi %mul3A_233, %add3A_270 : i32
      %get3A_272 = arith.index_cast %add3A_271 : i32 to index
      %get3A_273 = tpu.vector_load %arg6[%get3A_272] {strides = array<i32>} : memref<31232xf32, #tpu.memory_space<vmem>>, vector<16xf32>,
      %get3A_274 = vector.shape_cast %get3A_273 : vector<16xf32> to vector<16xf32>
      %add3A_275 = arith.addf %scan3A_230, %get3A_274 : vector<16xf32>
      %add3A_276 = arith.constant 112 : i32
      %add3A_277 = arith.addi %mul3A_233, %add3A_276 : i32
      %get3A_278 = arith.index_cast %add3A_277 : i32 to index
      %get3A_279 = tpu.vector_load %arg6[%get3A_278] {strides = array<i32>} : memref<31232xf32, #tpu.memory_space<vmem>>, vector<16xf32>,
      %get3A_280 = vector.shape_cast %get3A_279 : vector<16xf32> to vector<16xf32>
      %add3A_281 = arith.addf %scan3A_231, %get3A_280 : vector<16xf32>
      scf.yield %add3A_239, %add3A_245, %add3A_251, %add3A_257, %add3A_263, %add3A_269, %add3A_275, %add3A_281 : vector<16xf32>, vector<16xf32>, vector<16xf32>, vector<16xf32>, vector<16xf32>, vector<16xf32>, vector<16xf32>, vector<16xf32>
    }
    %scan3A_40 = arith.constant 244 : i32
    %add3A_41 = arith.addf %scan3A_39#0, %scan3A_39#1 : vector<16xf32>
    %add3A_42 = arith.addf %scan3A_39#2, %scan3A_39#3 : vector<16xf32>
    %add3A_43 = arith.addf %add3A_41, %add3A_42 : vector<16xf32>
    %add3A_44 = arith.addf %scan3A_39#4, %scan3A_39#5 : vector<16xf32>
    %add3A_45 = arith.addf %scan3A_39#6, %scan3A_39#7 : vector<16xf32>
    %add3A_46 = arith.addf %add3A_44, %add3A_45 : vector<16xf32>
    %add3A_47 = arith.addf %add3A_43, %add3A_46 : vector<16xf32>
    %swap3A = arith.constant 0 : index
    %swap3A_48 = tpu.vector_load %arg8[%swap3A] {strides = array<i32>} : memref<16xf32, #tpu.memory_space<vmem>>, vector<16xf32>,
    %swap3A_49 = vector.shape_cast %swap3A_48 : vector<16xf32> to vector<16xf32>
    %swap3A_50 = vector.shape_cast %add3A_47 : vector<16xf32> to vector<16xf32>
    tpu.vector_store %arg8[%swap3A], %swap3A_50 {strides = array<i32>} : memref<16xf32, #tpu.memory_space<vmem>>, vector<16xf32>,
    %eq3A = arith.constant 15 : i32
    %eq3A_51 = arith.cmpi eq, %arg1, %eq3A : i32
    %convert_element_type3A = arith.extui %eq3A_51 : i1 to i32
    %cond3A = arith.constant 0 : i32
    %cond3A_52 = arith.cmpi ne, %convert_element_type3A, %cond3A : i32
    scf.if %cond3A_52 {
      "tpu.region"() ({
        %run_scoped3A = tpu.sem_alloc : memref<!tpu.dma_semaphore, #tpu.memory_space<semaphore_mem>>
        %dma_start3A_377 = arith.constant 999424 : i32
        %dma_start3A_378 = tpu.memref_slice %arg2[%dma_start3A_377] : memref<1000000xf32, #tpu.memory_space<hbm>> -> memref<576xf32, #tpu.memory_space<hbm>>
        %dma_start3A_379 = arith.constant 999424 : i32
        %dma_start3A_380 = tpu.memref_slice %arg2[%dma_start3A_379] : memref<1000000xf32, #tpu.memory_space<hbm>> -> memref<576xf32, #tpu.memory_space<hbm>>
        tpu.enqueue_dma source(%dma_start3A_380 : memref<576xf32, #tpu.memory_space<hbm>>) target(%arg7 : memref<576xf32, #tpu.memory_space<vmem>>) target_semaphore(%run_scoped3A : memref<!tpu.dma_semaphore, #tpu.memory_space<semaphore_mem>>)
        %dma_wait3A_381 = arith.constant 999424 : i32
        %dma_wait3A_382 = tpu.memref_slice %arg2[%dma_wait3A_381] : memref<1000000xf32, #tpu.memory_space<hbm>> -> memref<576xf32, #tpu.memory_space<hbm>>
        %dma_wait3A_383 = arith.constant 999424 : i32
        %dma_wait3A_384 = tpu.memref_slice %arg2[%dma_wait3A_383] : memref<1000000xf32, #tpu.memory_space<hbm>> -> memref<576xf32, #tpu.memory_space<hbm>>
        tpu.wait_dma2 semaphore(%run_scoped3A : memref<!tpu.dma_semaphore, #tpu.memory_space<semaphore_mem>>) src(%dma_wait3A_384 : memref<576xf32, #tpu.memory_space<hbm>>) dst(%arg7 : memref<576xf32, #tpu.memory_space<vmem>>)
        tpu.yield
      }) : () -> ()
      %broadcast_in_dim3A_223 = arith.constant 0.000000e+00 : f32
      %broadcast_in_dim3A_224 = vector.broadcast %broadcast_in_dim3A_223 : f32 to vector<16xf32>
      %get3A_225 = arith.constant 0 : index
      %get3A_226 = tpu.vector_load %arg7[%get3A_225] {strides = array<i32>} : memref<576xf32, #tpu.memory_space<vmem>>, vector<16xf32>,
      %get3A_227 = vector.shape_cast %get3A_226 : vector<16xf32> to vector<16xf32>
      %add3A_228 = arith.addf %broadcast_in_dim3A_224, %get3A_227 : vector<16xf32>
      %get3A_229 = arith.constant 16 : index
      %get3A_230 = tpu.vector_load %arg7[%get3A_229] {strides = array<i32>} : memref<576xf32, #tpu.memory_space<vmem>>, vector<16xf32>,
      %get3A_231 = vector.shape_cast %get3A_230 : vector<16xf32> to vector<16xf32>
      %add3A_232 = arith.addf %add3A_228, %get3A_231 : vector<16xf32>
      %get3A_233 = arith.constant 32 : index
      %get3A_234 = tpu.vector_load %arg7[%get3A_233] {strides = array<i32>} : memref<576xf32, #tpu.memory_space<vmem>>, vector<16xf32>,
      %get3A_235 = vector.shape_cast %get3A_234 : vector<16xf32> to vector<16xf32>
      %add3A_236 = arith.addf %add3A_232, %get3A_235 : vector<16xf32>
      %get3A_237 = arith.constant 48 : index
      %get3A_238 = tpu.vector_load %arg7[%get3A_237] {strides = array<i32>} : memref<576xf32, #tpu.memory_space<vmem>>, vector<16xf32>,
      %get3A_239 = vector.shape_cast %get3A_238 : vector<16xf32> to vector<16xf32>
      %add3A_240 = arith.addf %add3A_236, %get3A_239 : vector<16xf32>
      %get3A_241 = arith.constant 64 : index
      %get3A_242 = tpu.vector_load %arg7[%get3A_241] {strides = array<i32>} : memref<576xf32, #tpu.memory_space<vmem>>, vector<16xf32>,
      %get3A_243 = vector.shape_cast %get3A_242 : vector<16xf32> to vector<16xf32>
      %add3A_244 = arith.addf %add3A_240, %get3A_243 : vector<16xf32>
      %get3A_245 = arith.constant 80 : index
      %get3A_246 = tpu.vector_load %arg7[%get3A_245] {strides = array<i32>} : memref<576xf32, #tpu.memory_space<vmem>>, vector<16xf32>,
      %get3A_247 = vector.shape_cast %get3A_246 : vector<16xf32> to vector<16xf32>
      %add3A_248 = arith.addf %add3A_244, %get3A_247 : vector<16xf32>
      %get3A_249 = arith.constant 96 : index
      %get3A_250 = tpu.vector_load %arg7[%get3A_249] {strides = array<i32>} : memref<576xf32, #tpu.memory_space<vmem>>, vector<16xf32>,
      %get3A_251 = vector.shape_cast %get3A_250 : vector<16xf32> to vector<16xf32>
      %add3A_252 = arith.addf %add3A_248, %get3A_251 : vector<16xf32>
      %get3A_253 = arith.constant 112 : index
      %get3A_254 = tpu.vector_load %arg7[%get3A_253] {strides = array<i32>} : memref<576xf32, #tpu.memory_space<vmem>>, vector<16xf32>,
      %get3A_255 = vector.shape_cast %get3A_254 : vector<16xf32> to vector<16xf32>
      %add3A_256 = arith.addf %add3A_252, %get3A_255 : vector<16xf32>
      %get3A_257 = arith.constant 128 : index
      %get3A_258 = tpu.vector_load %arg7[%get3A_257] {strides = array<i32>} : memref<576xf32, #tpu.memory_space<vmem>>, vector<16xf32>,
      %get3A_259 = vector.shape_cast %get3A_258 : vector<16xf32> to vector<16xf32>
      %add3A_260 = arith.addf %add3A_256, %get3A_259 : vector<16xf32>
      %get3A_261 = arith.constant 144 : index
      %get3A_262 = tpu.vector_load %arg7[%get3A_261] {strides = array<i32>} : memref<576xf32, #tpu.memory_space<vmem>>, vector<16xf32>,
      %get3A_263 = vector.shape_cast %get3A_262 : vector<16xf32> to vector<16xf32>
      %add3A_264 = arith.addf %add3A_260, %get3A_263 : vector<16xf32>
      %get3A_265 = arith.constant 160 : index
      %get3A_266 = tpu.vector_load %arg7[%get3A_265] {strides = array<i32>} : memref<576xf32, #tpu.memory_space<vmem>>, vector<16xf32>,
      %get3A_267 = vector.shape_cast %get3A_266 : vector<16xf32> to vector<16xf32>
      %add3A_268 = arith.addf %add3A_264, %get3A_267 : vector<16xf32>
      %get3A_269 = arith.constant 176 : index
      %get3A_270 = tpu.vector_load %arg7[%get3A_269] {strides = array<i32>} : memref<576xf32, #tpu.memory_space<vmem>>, vector<16xf32>,
      %get3A_271 = vector.shape_cast %get3A_270 : vector<16xf32> to vector<16xf32>
      %add3A_272 = arith.addf %add3A_268, %get3A_271 : vector<16xf32>
      %get3A_273 = arith.constant 192 : index
      %get3A_274 = tpu.vector_load %arg7[%get3A_273] {strides = array<i32>} : memref<576xf32, #tpu.memory_space<vmem>>, vector<16xf32>,
      %get3A_275 = vector.shape_cast %get3A_274 : vector<16xf32> to vector<16xf32>
      %add3A_276 = arith.addf %add3A_272, %get3A_275 : vector<16xf32>
      %get3A_277 = arith.constant 208 : index
      %get3A_278 = tpu.vector_load %arg7[%get3A_277] {strides = array<i32>} : memref<576xf32, #tpu.memory_space<vmem>>, vector<16xf32>,
      %get3A_279 = vector.shape_cast %get3A_278 : vector<16xf32> to vector<16xf32>
      %add3A_280 = arith.addf %add3A_276, %get3A_279 : vector<16xf32>
      %get3A_281 = arith.constant 224 : index
      %get3A_282 = tpu.vector_load %arg7[%get3A_281] {strides = array<i32>} : memref<576xf32, #tpu.memory_space<vmem>>, vector<16xf32>,
      %get3A_283 = vector.shape_cast %get3A_282 : vector<16xf32> to vector<16xf32>
      %add3A_284 = arith.addf %add3A_280, %get3A_283 : vector<16xf32>
      %get3A_285 = arith.constant 240 : index
      %get3A_286 = tpu.vector_load %arg7[%get3A_285] {strides = array<i32>} : memref<576xf32, #tpu.memory_space<vmem>>, vector<16xf32>,
      %get3A_287 = vector.shape_cast %get3A_286 : vector<16xf32> to vector<16xf32>
      %add3A_288 = arith.addf %add3A_284, %get3A_287 : vector<16xf32>
      %get3A_289 = arith.constant 256 : index
      %get3A_290 = tpu.vector_load %arg7[%get3A_289] {strides = array<i32>} : memref<576xf32, #tpu.memory_space<vmem>>, vector<16xf32>,
      %get3A_291 = vector.shape_cast %get3A_290 : vector<16xf32> to vector<16xf32>
      %add3A_292 = arith.addf %add3A_288, %get3A_291 : vector<16xf32>
      %get3A_293 = arith.constant 272 : index
      %get3A_294 = tpu.vector_load %arg7[%get3A_293] {strides = array<i32>} : memref<576xf32, #tpu.memory_space<vmem>>, vector<16xf32>,
      %get3A_295 = vector.shape_cast %get3A_294 : vector<16xf32> to vector<16xf32>
      %add3A_296 = arith.addf %add3A_292, %get3A_295 : vector<16xf32>
      %get3A_297 = arith.constant 288 : index
      %get3A_298 = tpu.vector_load %arg7[%get3A_297] {strides = array<i32>} : memref<576xf32, #tpu.memory_space<vmem>>, vector<16xf32>,
      %get3A_299 = vector.shape_cast %get3A_298 : vector<16xf32> to vector<16xf32>
      %add3A_300 = arith.addf %add3A_296, %get3A_299 : vector<16xf32>
      %get3A_301 = arith.constant 304 : index
      %get3A_302 = tpu.vector_load %arg7[%get3A_301] {strides = array<i32>} : memref<576xf32, #tpu.memory_space<vmem>>, vector<16xf32>,
      %get3A_303 = vector.shape_cast %get3A_302 : vector<16xf32> to vector<16xf32>
      %add3A_304 = arith.addf %add3A_300, %get3A_303 : vector<16xf32>
      %get3A_305 = arith.constant 320 : index
      %get3A_306 = tpu.vector_load %arg7[%get3A_305] {strides = array<i32>} : memref<576xf32, #tpu.memory_space<vmem>>, vector<16xf32>,
      %get3A_307 = vector.shape_cast %get3A_306 : vector<16xf32> to vector<16xf32>
      %add3A_308 = arith.addf %add3A_304, %get3A_307 : vector<16xf32>
      %get3A_309 = arith.constant 336 : index
      %get3A_310 = tpu.vector_load %arg7[%get3A_309] {strides = array<i32>} : memref<576xf32, #tpu.memory_space<vmem>>, vector<16xf32>,
      %get3A_311 = vector.shape_cast %get3A_310 : vector<16xf32> to vector<16xf32>
      %add3A_312 = arith.addf %add3A_308, %get3A_311 : vector<16xf32>
      %get3A_313 = arith.constant 352 : index
      %get3A_314 = tpu.vector_load %arg7[%get3A_313] {strides = array<i32>} : memref<576xf32, #tpu.memory_space<vmem>>, vector<16xf32>,
      %get3A_315 = vector.shape_cast %get3A_314 : vector<16xf32> to vector<16xf32>
      %add3A_316 = arith.addf %add3A_312, %get3A_315 : vector<16xf32>
      %get3A_317 = arith.constant 368 : index
      %get3A_318 = tpu.vector_load %arg7[%get3A_317] {strides = array<i32>} : memref<576xf32, #tpu.memory_space<vmem>>, vector<16xf32>,
      %get3A_319 = vector.shape_cast %get3A_318 : vector<16xf32> to vector<16xf32>
      %add3A_320 = arith.addf %add3A_316, %get3A_319 : vector<16xf32>
      %get3A_321 = arith.constant 384 : index
      %get3A_322 = tpu.vector_load %arg7[%get3A_321] {strides = array<i32>} : memref<576xf32, #tpu.memory_space<vmem>>, vector<16xf32>,
      %get3A_323 = vector.shape_cast %get3A_322 : vector<16xf32> to vector<16xf32>
      %add3A_324 = arith.addf %add3A_320, %get3A_323 : vector<16xf32>
      %get3A_325 = arith.constant 400 : index
      %get3A_326 = tpu.vector_load %arg7[%get3A_325] {strides = array<i32>} : memref<576xf32, #tpu.memory_space<vmem>>, vector<16xf32>,
      %get3A_327 = vector.shape_cast %get3A_326 : vector<16xf32> to vector<16xf32>
      %add3A_328 = arith.addf %add3A_324, %get3A_327 : vector<16xf32>
      %get3A_329 = arith.constant 416 : index
      %get3A_330 = tpu.vector_load %arg7[%get3A_329] {strides = array<i32>} : memref<576xf32, #tpu.memory_space<vmem>>, vector<16xf32>,
      %get3A_331 = vector.shape_cast %get3A_330 : vector<16xf32> to vector<16xf32>
      %add3A_332 = arith.addf %add3A_328, %get3A_331 : vector<16xf32>
      %get3A_333 = arith.constant 432 : index
      %get3A_334 = tpu.vector_load %arg7[%get3A_333] {strides = array<i32>} : memref<576xf32, #tpu.memory_space<vmem>>, vector<16xf32>,
      %get3A_335 = vector.shape_cast %get3A_334 : vector<16xf32> to vector<16xf32>
      %add3A_336 = arith.addf %add3A_332, %get3A_335 : vector<16xf32>
      %get3A_337 = arith.constant 448 : index
      %get3A_338 = tpu.vector_load %arg7[%get3A_337] {strides = array<i32>} : memref<576xf32, #tpu.memory_space<vmem>>, vector<16xf32>,
      %get3A_339 = vector.shape_cast %get3A_338 : vector<16xf32> to vector<16xf32>
      %add3A_340 = arith.addf %add3A_336, %get3A_339 : vector<16xf32>
      %get3A_341 = arith.constant 464 : index
      %get3A_342 = tpu.vector_load %arg7[%get3A_341] {strides = array<i32>} : memref<576xf32, #tpu.memory_space<vmem>>, vector<16xf32>,
      %get3A_343 = vector.shape_cast %get3A_342 : vector<16xf32> to vector<16xf32>
      %add3A_344 = arith.addf %add3A_340, %get3A_343 : vector<16xf32>
      %get3A_345 = arith.constant 480 : index
      %get3A_346 = tpu.vector_load %arg7[%get3A_345] {strides = array<i32>} : memref<576xf32, #tpu.memory_space<vmem>>, vector<16xf32>,
      %get3A_347 = vector.shape_cast %get3A_346 : vector<16xf32> to vector<16xf32>
      %add3A_348 = arith.addf %add3A_344, %get3A_347 : vector<16xf32>
      %get3A_349 = arith.constant 496 : index
      %get3A_350 = tpu.vector_load %arg7[%get3A_349] {strides = array<i32>} : memref<576xf32, #tpu.memory_space<vmem>>, vector<16xf32>,
      %get3A_351 = vector.shape_cast %get3A_350 : vector<16xf32> to vector<16xf32>
      %add3A_352 = arith.addf %add3A_348, %get3A_351 : vector<16xf32>
      %get3A_353 = arith.constant 512 : index
      %get3A_354 = tpu.vector_load %arg7[%get3A_353] {strides = array<i32>} : memref<576xf32, #tpu.memory_space<vmem>>, vector<16xf32>,
      %get3A_355 = vector.shape_cast %get3A_354 : vector<16xf32> to vector<16xf32>
      %add3A_356 = arith.addf %add3A_352, %get3A_355 : vector<16xf32>
      %get3A_357 = arith.constant 528 : index
      %get3A_358 = tpu.vector_load %arg7[%get3A_357] {strides = array<i32>} : memref<576xf32, #tpu.memory_space<vmem>>, vector<16xf32>,
      %get3A_359 = vector.shape_cast %get3A_358 : vector<16xf32> to vector<16xf32>
      %add3A_360 = arith.addf %add3A_356, %get3A_359 : vector<16xf32>
      %get3A_361 = arith.constant 544 : index
      %get3A_362 = tpu.vector_load %arg7[%get3A_361] {strides = array<i32>} : memref<576xf32, #tpu.memory_space<vmem>>, vector<16xf32>,
      %get3A_363 = vector.shape_cast %get3A_362 : vector<16xf32> to vector<16xf32>
      %add3A_364 = arith.addf %add3A_360, %get3A_363 : vector<16xf32>
      %get3A_365 = arith.constant 560 : index
      %get3A_366 = tpu.vector_load %arg7[%get3A_365] {strides = array<i32>} : memref<576xf32, #tpu.memory_space<vmem>>, vector<16xf32>,
      %get3A_367 = vector.shape_cast %get3A_366 : vector<16xf32> to vector<16xf32>
      %add3A_368 = arith.addf %add3A_364, %get3A_367 : vector<16xf32>
      %get3A_369 = arith.constant 0 : index
      %get3A_370 = tpu.vector_load %arg8[%get3A_369] {strides = array<i32>} : memref<16xf32, #tpu.memory_space<vmem>>, vector<16xf32>,
      %get3A_371 = vector.shape_cast %get3A_370 : vector<16xf32> to vector<16xf32>
      %add3A_372 = arith.addf %get3A_371, %add3A_368 : vector<16xf32>
      %swap3A_373 = arith.constant 0 : index
      %swap3A_374 = tpu.vector_load %arg8[%swap3A_373] {strides = array<i32>} : memref<16xf32, #tpu.memory_space<vmem>>, vector<16xf32>,
      %swap3A_375 = vector.shape_cast %swap3A_374 : vector<16xf32> to vector<16xf32>
      %swap3A_376 = vector.shape_cast %add3A_372 : vector<16xf32> to vector<16xf32>
      tpu.vector_store %arg8[%swap3A_373], %swap3A_376 {strides = array<i32>} : memref<16xf32, #tpu.memory_space<vmem>>, vector<16xf32>,
    } else {
    }
    %dma_wait3A_53 = arith.constant 0 : i32
    %dma_wait3A_54 = tpu.memref_slice %arg2[%dma_wait3A_53] : memref<1000000xf32, #tpu.memory_space<hbm>> -> memref<1000000xf32, #tpu.memory_space<hbm>>
    tpu.wait_indirect_dma semaphore(%arg16 : memref<!tpu.dma_semaphore, #tpu.memory_space<semaphore_mem>>) src(%dma_wait3A_54 : memref<1000000xf32, #tpu.memory_space<hbm>>) dst(%arg11 : memref<512xf32, #tpu.memory_space<vmem>>)
    %mul3A_55 = arith.constant 16 : i32
    %mul3A_56 = arith.muli %arg1, %mul3A_55 : i32
    "tpu.region"() ({
      %run_scoped3A = tpu.sem_alloc : memref<!tpu.dma_semaphore, #tpu.memory_space<semaphore_mem>>
      %dma_start3A_223 = tpu.memref_slice %arg13[%mul3A_56] : memref<256xf32, #tpu.memory_space<vmem_shared>> -> memref<16xf32, #tpu.memory_space<vmem_shared>>
      %dma_start3A_224 = tpu.memref_slice %arg13[%mul3A_56] : memref<256xf32, #tpu.memory_space<vmem_shared>> -> memref<16xf32, #tpu.memory_space<vmem_shared>>
      tpu.enqueue_dma source(%arg8 : memref<16xf32, #tpu.memory_space<vmem>>) target(%dma_start3A_224 : memref<16xf32, #tpu.memory_space<vmem_shared>>) target_semaphore(%run_scoped3A : memref<!tpu.dma_semaphore, #tpu.memory_space<semaphore_mem>>)
      %dma_wait3A_225 = tpu.memref_slice %arg13[%mul3A_56] : memref<256xf32, #tpu.memory_space<vmem_shared>> -> memref<16xf32, #tpu.memory_space<vmem_shared>>
      %dma_wait3A_226 = tpu.memref_slice %arg13[%mul3A_56] : memref<256xf32, #tpu.memory_space<vmem_shared>> -> memref<16xf32, #tpu.memory_space<vmem_shared>>
      tpu.wait_dma2 semaphore(%run_scoped3A : memref<!tpu.dma_semaphore, #tpu.memory_space<semaphore_mem>>) src(%arg8 : memref<16xf32, #tpu.memory_space<vmem>>) dst(%dma_wait3A_226 : memref<16xf32, #tpu.memory_space<vmem_shared>>)
      tpu.yield
    }) : () -> ()
    %barrier3A = arith.constant 0 : index
    tpu.barrier barrier_id(%barrier3A)
    "tpu.region"() ({
      %run_scoped3A = tpu.sem_alloc : memref<!tpu.dma_semaphore, #tpu.memory_space<semaphore_mem>>
      tpu.enqueue_dma source(%arg13 : memref<256xf32, #tpu.memory_space<vmem_shared>>) target(%arg9 : memref<256xf32, #tpu.memory_space<vmem>>) target_semaphore(%run_scoped3A : memref<!tpu.dma_semaphore, #tpu.memory_space<semaphore_mem>>)
      tpu.wait_dma2 semaphore(%run_scoped3A : memref<!tpu.dma_semaphore, #tpu.memory_space<semaphore_mem>>) src(%arg13 : memref<256xf32, #tpu.memory_space<vmem_shared>>) dst(%arg9 : memref<256xf32, #tpu.memory_space<vmem>>)
      tpu.yield
    }) : () -> ()
    %get3A = arith.constant 0 : index
    %get3A_57 = tpu.vector_load %arg9[%get3A] {strides = array<i32>} : memref<256xf32, #tpu.memory_space<vmem>>, vector<16xf32>,
    %get3A_58 = vector.shape_cast %get3A_57 : vector<16xf32> to vector<16xf32>
    %get3A_59 = arith.constant 16 : index
    %get3A_60 = tpu.vector_load %arg9[%get3A_59] {strides = array<i32>} : memref<256xf32, #tpu.memory_space<vmem>>, vector<16xf32>,
    %get3A_61 = vector.shape_cast %get3A_60 : vector<16xf32> to vector<16xf32>
    %add3A_62 = arith.addf %get3A_58, %get3A_61 : vector<16xf32>
    %get3A_63 = arith.constant 32 : index
    %get3A_64 = tpu.vector_load %arg9[%get3A_63] {strides = array<i32>} : memref<256xf32, #tpu.memory_space<vmem>>, vector<16xf32>,
    %get3A_65 = vector.shape_cast %get3A_64 : vector<16xf32> to vector<16xf32>
    %add3A_66 = arith.addf %add3A_62, %get3A_65 : vector<16xf32>
    %get3A_67 = arith.constant 48 : index
    %get3A_68 = tpu.vector_load %arg9[%get3A_67] {strides = array<i32>} : memref<256xf32, #tpu.memory_space<vmem>>, vector<16xf32>,
    %get3A_69 = vector.shape_cast %get3A_68 : vector<16xf32> to vector<16xf32>
    %add3A_70 = arith.addf %add3A_66, %get3A_69 : vector<16xf32>
    %get3A_71 = arith.constant 64 : index
    %get3A_72 = tpu.vector_load %arg9[%get3A_71] {strides = array<i32>} : memref<256xf32, #tpu.memory_space<vmem>>, vector<16xf32>,
    %get3A_73 = vector.shape_cast %get3A_72 : vector<16xf32> to vector<16xf32>
    %add3A_74 = arith.addf %add3A_70, %get3A_73 : vector<16xf32>
    %get3A_75 = arith.constant 80 : index
    %get3A_76 = tpu.vector_load %arg9[%get3A_75] {strides = array<i32>} : memref<256xf32, #tpu.memory_space<vmem>>, vector<16xf32>,
    %get3A_77 = vector.shape_cast %get3A_76 : vector<16xf32> to vector<16xf32>
    %add3A_78 = arith.addf %add3A_74, %get3A_77 : vector<16xf32>
    %get3A_79 = arith.constant 96 : index
    %get3A_80 = tpu.vector_load %arg9[%get3A_79] {strides = array<i32>} : memref<256xf32, #tpu.memory_space<vmem>>, vector<16xf32>,
    %get3A_81 = vector.shape_cast %get3A_80 : vector<16xf32> to vector<16xf32>
    %add3A_82 = arith.addf %add3A_78, %get3A_81 : vector<16xf32>
    %get3A_83 = arith.constant 112 : index
    %get3A_84 = tpu.vector_load %arg9[%get3A_83] {strides = array<i32>} : memref<256xf32, #tpu.memory_space<vmem>>, vector<16xf32>,
    %get3A_85 = vector.shape_cast %get3A_84 : vector<16xf32> to vector<16xf32>
    %add3A_86 = arith.addf %add3A_82, %get3A_85 : vector<16xf32>
    %get3A_87 = arith.constant 128 : index
    %get3A_88 = tpu.vector_load %arg9[%get3A_87] {strides = array<i32>} : memref<256xf32, #tpu.memory_space<vmem>>, vector<16xf32>,
    %get3A_89 = vector.shape_cast %get3A_88 : vector<16xf32> to vector<16xf32>
    %add3A_90 = arith.addf %add3A_86, %get3A_89 : vector<16xf32>
    %get3A_91 = arith.constant 144 : index
    %get3A_92 = tpu.vector_load %arg9[%get3A_91] {strides = array<i32>} : memref<256xf32, #tpu.memory_space<vmem>>, vector<16xf32>,
    %get3A_93 = vector.shape_cast %get3A_92 : vector<16xf32> to vector<16xf32>
    %add3A_94 = arith.addf %add3A_90, %get3A_93 : vector<16xf32>
    %get3A_95 = arith.constant 160 : index
    %get3A_96 = tpu.vector_load %arg9[%get3A_95] {strides = array<i32>} : memref<256xf32, #tpu.memory_space<vmem>>, vector<16xf32>,
    %get3A_97 = vector.shape_cast %get3A_96 : vector<16xf32> to vector<16xf32>
    %add3A_98 = arith.addf %add3A_94, %get3A_97 : vector<16xf32>
    %get3A_99 = arith.constant 176 : index
    %get3A_100 = tpu.vector_load %arg9[%get3A_99] {strides = array<i32>} : memref<256xf32, #tpu.memory_space<vmem>>, vector<16xf32>,
    %get3A_101 = vector.shape_cast %get3A_100 : vector<16xf32> to vector<16xf32>
    %add3A_102 = arith.addf %add3A_98, %get3A_101 : vector<16xf32>
    %get3A_103 = arith.constant 192 : index
    %get3A_104 = tpu.vector_load %arg9[%get3A_103] {strides = array<i32>} : memref<256xf32, #tpu.memory_space<vmem>>, vector<16xf32>,
    %get3A_105 = vector.shape_cast %get3A_104 : vector<16xf32> to vector<16xf32>
    %add3A_106 = arith.addf %add3A_102, %get3A_105 : vector<16xf32>
    %get3A_107 = arith.constant 208 : index
    %get3A_108 = tpu.vector_load %arg9[%get3A_107] {strides = array<i32>} : memref<256xf32, #tpu.memory_space<vmem>>, vector<16xf32>,
    %get3A_109 = vector.shape_cast %get3A_108 : vector<16xf32> to vector<16xf32>
    %add3A_110 = arith.addf %add3A_106, %get3A_109 : vector<16xf32>
    %get3A_111 = arith.constant 224 : index
    %get3A_112 = tpu.vector_load %arg9[%get3A_111] {strides = array<i32>} : memref<256xf32, #tpu.memory_space<vmem>>, vector<16xf32>,
    %get3A_113 = vector.shape_cast %get3A_112 : vector<16xf32> to vector<16xf32>
    %add3A_114 = arith.addf %add3A_110, %get3A_113 : vector<16xf32>
    %get3A_115 = arith.constant 240 : index
    %get3A_116 = tpu.vector_load %arg9[%get3A_115] {strides = array<i32>} : memref<256xf32, #tpu.memory_space<vmem>>, vector<16xf32>,
    %get3A_117 = vector.shape_cast %get3A_116 : vector<16xf32> to vector<16xf32>
    %add3A_118 = arith.addf %add3A_114, %get3A_117 : vector<16xf32>
    %slice3A = vector.extract_strided_slice %add3A_118 {offsets = [0], sizes = [1], strides = [1]} : vector<16xf32> to vector<1xf32>
    %squeeze3A = vector.extract %slice3A[0] : f32 from vector<1xf32>
    %slice3A_119 = vector.extract_strided_slice %add3A_118 {offsets = [1], sizes = [1], strides = [1]} : vector<16xf32> to vector<1xf32>
    %squeeze3A_120 = vector.extract %slice3A_119[0] : f32 from vector<1xf32>
    %add3A_121 = arith.addf %squeeze3A, %squeeze3A_120 : f32
    %slice3A_122 = vector.extract_strided_slice %add3A_118 {offsets = [2], sizes = [1], strides = [1]} : vector<16xf32> to vector<1xf32>
    %squeeze3A_123 = vector.extract %slice3A_122[0] : f32 from vector<1xf32>
    %add3A_124 = arith.addf %add3A_121, %squeeze3A_123 : f32
    %slice3A_125 = vector.extract_strided_slice %add3A_118 {offsets = [3], sizes = [1], strides = [1]} : vector<16xf32> to vector<1xf32>
    %squeeze3A_126 = vector.extract %slice3A_125[0] : f32 from vector<1xf32>
    %add3A_127 = arith.addf %add3A_124, %squeeze3A_126 : f32
    %slice3A_128 = vector.extract_strided_slice %add3A_118 {offsets = [4], sizes = [1], strides = [1]} : vector<16xf32> to vector<1xf32>
    %squeeze3A_129 = vector.extract %slice3A_128[0] : f32 from vector<1xf32>
    %add3A_130 = arith.addf %add3A_127, %squeeze3A_129 : f32
    %slice3A_131 = vector.extract_strided_slice %add3A_118 {offsets = [5], sizes = [1], strides = [1]} : vector<16xf32> to vector<1xf32>
    %squeeze3A_132 = vector.extract %slice3A_131[0] : f32 from vector<1xf32>
    %add3A_133 = arith.addf %add3A_130, %squeeze3A_132 : f32
    %slice3A_134 = vector.extract_strided_slice %add3A_118 {offsets = [6], sizes = [1], strides = [1]} : vector<16xf32> to vector<1xf32>
    %squeeze3A_135 = vector.extract %slice3A_134[0] : f32 from vector<1xf32>
    %add3A_136 = arith.addf %add3A_133, %squeeze3A_135 : f32
    %slice3A_137 = vector.extract_strided_slice %add3A_118 {offsets = [7], sizes = [1], strides = [1]} : vector<16xf32> to vector<1xf32>
    %squeeze3A_138 = vector.extract %slice3A_137[0] : f32 from vector<1xf32>
    %add3A_139 = arith.addf %add3A_136, %squeeze3A_138 : f32
    %slice3A_140 = vector.extract_strided_slice %add3A_118 {offsets = [8], sizes = [1], strides = [1]} : vector<16xf32> to vector<1xf32>
    %squeeze3A_141 = vector.extract %slice3A_140[0] : f32 from vector<1xf32>
    %add3A_142 = arith.addf %add3A_139, %squeeze3A_141 : f32
    %slice3A_143 = vector.extract_strided_slice %add3A_118 {offsets = [9], sizes = [1], strides = [1]} : vector<16xf32> to vector<1xf32>
    %squeeze3A_144 = vector.extract %slice3A_143[0] : f32 from vector<1xf32>
    %add3A_145 = arith.addf %add3A_142, %squeeze3A_144 : f32
    %slice3A_146 = vector.extract_strided_slice %add3A_118 {offsets = [10], sizes = [1], strides = [1]} : vector<16xf32> to vector<1xf32>
    %squeeze3A_147 = vector.extract %slice3A_146[0] : f32 from vector<1xf32>
    %add3A_148 = arith.addf %add3A_145, %squeeze3A_147 : f32
    %slice3A_149 = vector.extract_strided_slice %add3A_118 {offsets = [11], sizes = [1], strides = [1]} : vector<16xf32> to vector<1xf32>
    %squeeze3A_150 = vector.extract %slice3A_149[0] : f32 from vector<1xf32>
    %add3A_151 = arith.addf %add3A_148, %squeeze3A_150 : f32
    %slice3A_152 = vector.extract_strided_slice %add3A_118 {offsets = [12], sizes = [1], strides = [1]} : vector<16xf32> to vector<1xf32>
    %squeeze3A_153 = vector.extract %slice3A_152[0] : f32 from vector<1xf32>
    %add3A_154 = arith.addf %add3A_151, %squeeze3A_153 : f32
    %slice3A_155 = vector.extract_strided_slice %add3A_118 {offsets = [13], sizes = [1], strides = [1]} : vector<16xf32> to vector<1xf32>
    %squeeze3A_156 = vector.extract %slice3A_155[0] : f32 from vector<1xf32>
    %add3A_157 = arith.addf %add3A_154, %squeeze3A_156 : f32
    %slice3A_158 = vector.extract_strided_slice %add3A_118 {offsets = [14], sizes = [1], strides = [1]} : vector<16xf32> to vector<1xf32>
    %squeeze3A_159 = vector.extract %slice3A_158[0] : f32 from vector<1xf32>
    %add3A_160 = arith.addf %add3A_157, %squeeze3A_159 : f32
    %slice3A_161 = vector.extract_strided_slice %add3A_118 {offsets = [15], sizes = [1], strides = [1]} : vector<16xf32> to vector<1xf32>
    %squeeze3A_162 = vector.extract %slice3A_161[0] : f32 from vector<1xf32>
    %add3A_163 = arith.addf %add3A_160, %squeeze3A_162 : f32
    %broadcast_in_dim3A_164 = arith.constant 0.000000e+00 : f32
    %broadcast_in_dim3A_165 = vector.broadcast %broadcast_in_dim3A_164 : f32 to vector<16xf32>
    %add3A_166 = vector.broadcast %add3A_163 : f32 to vector<16xf32>
    %add3A_167 = arith.addf %broadcast_in_dim3A_165, %add3A_166 : vector<16xf32>
    %bitcast_convert_type3A = tpu.bitcast %add3A_167 : vector<16xf32> -> vector<16xi32>
    %shift_right_logical3A = arith.constant 23 : i32
    %shift_right_logical3A_168 = vector.broadcast %shift_right_logical3A : i32 to vector<16xi32>
    %shift_right_logical3A_169 = arith.shrui %bitcast_convert_type3A, %shift_right_logical3A_168 : vector<16xi32>
    %sub3A = arith.constant 127 : i32
    %sub3A_170 = vector.broadcast %sub3A : i32 to vector<16xi32>
    %sub3A_171 = arith.subi %shift_right_logical3A_169, %sub3A_170 : vector<16xi32>
    %and3A = arith.constant 8388607 : i32
    %and3A_172 = vector.broadcast %and3A : i32 to vector<16xi32>
    %and3A_173 = arith.andi %bitcast_convert_type3A, %and3A_172 : vector<16xi32>
    %or3A = arith.constant 1065353216 : i32
    %or3A_174 = vector.broadcast %or3A : i32 to vector<16xi32>
    %or3A_175 = arith.ori %and3A_173, %or3A_174 : vector<16xi32>
    %bitcast_convert_type3A_176 = tpu.bitcast %or3A_175 : vector<16xi32> -> vector<16xf32>
    %ge3A = arith.constant 1.41421354 : f32
    %ge3A_177 = vector.broadcast %ge3A : f32 to vector<16xf32>
    %ge3A_178 = arith.cmpf oge, %bitcast_convert_type3A_176, %ge3A_177 : vector<16xf32>
    %mul3A_179 = arith.constant 5.000000e-01 : f32
    %mul3A_180 = vector.broadcast %mul3A_179 : f32 to vector<16xf32>
    %mul3A_181 = arith.mulf %bitcast_convert_type3A_176, %mul3A_180 : vector<16xf32>
    %select_n3A = arith.select %ge3A_178, %mul3A_181, %bitcast_convert_type3A_176 : vector<16xi1>, vector<16xf32>
    %jit3A = arith.constant 1 : i32
    %jit3A_182 = arith.constant 0 : i32
    %broadcast_in_dim3A_183 = vector.broadcast %jit3A : i32 to vector<16xi32>
    %broadcast_in_dim3A_184 = vector.broadcast %jit3A_182 : i32 to vector<16xi32>
    %select_n3A_185 = arith.select %ge3A_178, %broadcast_in_dim3A_183, %broadcast_in_dim3A_184 : vector<16xi1>, vector<16xi32>
    %add3A_186 = arith.addi %sub3A_171, %select_n3A_185 : vector<16xi32>
    %convert_element_type3A_187 = arith.sitofp %add3A_186 : vector<16xi32> to vector<16xf32>
    %sub3A_188 = arith.constant 1.000000e+00 : f32
    %sub3A_189 = vector.broadcast %sub3A_188 : f32 to vector<16xf32>
    %sub3A_190 = arith.subf %select_n3A, %sub3A_189 : vector<16xf32>
    %add3A_191 = arith.constant 1.000000e+00 : f32
    %add3A_192 = vector.broadcast %add3A_191 : f32 to vector<16xf32>
    %add3A_193 = arith.addf %select_n3A, %add3A_192 : vector<16xf32>
    %div3A = arith.divf %sub3A_190, %add3A_193 : vector<16xf32>
    %mul3A_194 = arith.mulf %div3A, %div3A : vector<16xf32>
    %mul3A_195 = arith.constant 2.000000e+00 : f32
    %mul3A_196 = vector.broadcast %mul3A_195 : f32 to vector<16xf32>
    %mul3A_197 = arith.mulf %mul3A_196, %div3A : vector<16xf32>
    %mul3A_198 = arith.constant 0.142857149 : f32
    %mul3A_199 = vector.broadcast %mul3A_198 : f32 to vector<16xf32>
    %mul3A_200 = arith.mulf %mul3A_194, %mul3A_199 : vector<16xf32>
    %add3A_201 = arith.constant 2.000000e-01 : f32
    %add3A_202 = vector.broadcast %add3A_201 : f32 to vector<16xf32>
    %add3A_203 = arith.addf %add3A_202, %mul3A_200 : vector<16xf32>
    %mul3A_204 = arith.mulf %mul3A_194, %add3A_203 : vector<16xf32>
    %add3A_205 = arith.constant 0.333333343 : f32
    %add3A_206 = vector.broadcast %add3A_205 : f32 to vector<16xf32>
    %add3A_207 = arith.addf %add3A_206, %mul3A_204 : vector<16xf32>
    %mul3A_208 = arith.mulf %mul3A_194, %add3A_207 : vector<16xf32>
    %add3A_209 = arith.constant 1.000000e+00 : f32
    %add3A_210 = vector.broadcast %add3A_209 : f32 to vector<16xf32>
    %add3A_211 = arith.addf %add3A_210, %mul3A_208 : vector<16xf32>
    %mul3A_212 = arith.mulf %mul3A_197, %add3A_211 : vector<16xf32>
    %mul3A_213 = arith.constant 0.693147182 : f32
    %mul3A_214 = vector.broadcast %mul3A_213 : f32 to vector<16xf32>
    %mul3A_215 = arith.mulf %convert_element_type3A_187, %mul3A_214 : vector<16xf32>
    %add3A_216 = arith.addf %mul3A_215, %mul3A_212 : vector<16xf32>
    %scan3A_217 = arith.constant 0 : i32
    %scan3A_218 = arith.constant 0 : i32
    %scan3A_219 = arith.constant 32 : i32
    %scan3A_220 = arith.addi %scan3A_218, %scan3A_219 : i32
    %scan3A_221 = arith.constant 1 : i32
    scf.for %scan3A_223 = %scan3A_218 to %scan3A_220 step %scan3A_221  : i32 {
      %mul3A_224 = arith.constant 16 : i32
      %mul3A_225 = arith.muli %scan3A_223, %mul3A_224 : i32
      %get3A_226 = arith.index_cast %mul3A_225 : i32 to index
      %get3A_227 = tpu.vector_load %arg11[%get3A_226] {strides = array<i32>} : memref<512xf32, #tpu.memory_space<vmem>>, vector<16xf32>,
      %get3A_228 = vector.shape_cast %get3A_227 : vector<16xf32> to vector<16xf32>
      %bitcast_convert_type3A_229 = tpu.bitcast %get3A_228 : vector<16xf32> -> vector<16xi32>
      %shift_right_logical3A_230 = arith.constant 23 : i32
      %shift_right_logical3A_231 = vector.broadcast %shift_right_logical3A_230 : i32 to vector<16xi32>
      %shift_right_logical3A_232 = arith.shrui %bitcast_convert_type3A_229, %shift_right_logical3A_231 : vector<16xi32>
      %sub3A_233 = arith.constant 127 : i32
      %sub3A_234 = vector.broadcast %sub3A_233 : i32 to vector<16xi32>
      %sub3A_235 = arith.subi %shift_right_logical3A_232, %sub3A_234 : vector<16xi32>
      %and3A_236 = arith.constant 8388607 : i32
      %and3A_237 = vector.broadcast %and3A_236 : i32 to vector<16xi32>
      %and3A_238 = arith.andi %bitcast_convert_type3A_229, %and3A_237 : vector<16xi32>
      %or3A_239 = arith.constant 1065353216 : i32
      %or3A_240 = vector.broadcast %or3A_239 : i32 to vector<16xi32>
      %or3A_241 = arith.ori %and3A_238, %or3A_240 : vector<16xi32>
      %bitcast_convert_type3A_242 = tpu.bitcast %or3A_241 : vector<16xi32> -> vector<16xf32>
      %ge3A_243 = arith.constant 1.41421354 : f32
      %ge3A_244 = vector.broadcast %ge3A_243 : f32 to vector<16xf32>
      %ge3A_245 = arith.cmpf oge, %bitcast_convert_type3A_242, %ge3A_244 : vector<16xf32>
      %mul3A_246 = arith.constant 5.000000e-01 : f32
      %mul3A_247 = vector.broadcast %mul3A_246 : f32 to vector<16xf32>
      %mul3A_248 = arith.mulf %bitcast_convert_type3A_242, %mul3A_247 : vector<16xf32>
      %select_n3A_249 = arith.select %ge3A_245, %mul3A_248, %bitcast_convert_type3A_242 : vector<16xi1>, vector<16xf32>
      %jit3A_250 = arith.constant 1 : i32
      %jit3A_251 = arith.constant 0 : i32
      %broadcast_in_dim3A_252 = vector.broadcast %jit3A_250 : i32 to vector<16xi32>
      %broadcast_in_dim3A_253 = vector.broadcast %jit3A_251 : i32 to vector<16xi32>
      %select_n3A_254 = arith.select %ge3A_245, %broadcast_in_dim3A_252, %broadcast_in_dim3A_253 : vector<16xi1>, vector<16xi32>
      %add3A_255 = arith.addi %sub3A_235, %select_n3A_254 : vector<16xi32>
      %convert_element_type3A_256 = arith.sitofp %add3A_255 : vector<16xi32> to vector<16xf32>
      %sub3A_257 = arith.constant 1.000000e+00 : f32
      %sub3A_258 = vector.broadcast %sub3A_257 : f32 to vector<16xf32>
      %sub3A_259 = arith.subf %select_n3A_249, %sub3A_258 : vector<16xf32>
      %add3A_260 = arith.constant 1.000000e+00 : f32
      %add3A_261 = vector.broadcast %add3A_260 : f32 to vector<16xf32>
      %add3A_262 = arith.addf %select_n3A_249, %add3A_261 : vector<16xf32>
      %div3A_263 = arith.divf %sub3A_259, %add3A_262 : vector<16xf32>
      %mul3A_264 = arith.mulf %div3A_263, %div3A_263 : vector<16xf32>
      %mul3A_265 = arith.constant 2.000000e+00 : f32
      %mul3A_266 = vector.broadcast %mul3A_265 : f32 to vector<16xf32>
      %mul3A_267 = arith.mulf %mul3A_266, %div3A_263 : vector<16xf32>
      %mul3A_268 = arith.constant 0.142857149 : f32
      %mul3A_269 = vector.broadcast %mul3A_268 : f32 to vector<16xf32>
      %mul3A_270 = arith.mulf %mul3A_264, %mul3A_269 : vector<16xf32>
      %add3A_271 = arith.constant 2.000000e-01 : f32
      %add3A_272 = vector.broadcast %add3A_271 : f32 to vector<16xf32>
      %add3A_273 = arith.addf %add3A_272, %mul3A_270 : vector<16xf32>
      %mul3A_274 = arith.mulf %mul3A_264, %add3A_273 : vector<16xf32>
      %add3A_275 = arith.constant 0.333333343 : f32
      %add3A_276 = vector.broadcast %add3A_275 : f32 to vector<16xf32>
      %add3A_277 = arith.addf %add3A_276, %mul3A_274 : vector<16xf32>
      %mul3A_278 = arith.mulf %mul3A_264, %add3A_277 : vector<16xf32>
      %add3A_279 = arith.constant 1.000000e+00 : f32
      %add3A_280 = vector.broadcast %add3A_279 : f32 to vector<16xf32>
      %add3A_281 = arith.addf %add3A_280, %mul3A_278 : vector<16xf32>
      %mul3A_282 = arith.mulf %mul3A_267, %add3A_281 : vector<16xf32>
      %mul3A_283 = arith.constant 0.693147182 : f32
      %mul3A_284 = vector.broadcast %mul3A_283 : f32 to vector<16xf32>
      %mul3A_285 = arith.mulf %convert_element_type3A_256, %mul3A_284 : vector<16xf32>
      %add3A_286 = arith.addf %mul3A_285, %mul3A_282 : vector<16xf32>
      %sub3A_287 = arith.subf %add3A_286, %add3A_216 : vector<16xf32>
      %mul3A_288 = arith.constant 16 : i32
      %mul3A_289 = arith.muli %scan3A_223, %mul3A_288 : i32
      %swap3A_290 = arith.index_cast %mul3A_289 : i32 to index
      %swap3A_291 = tpu.vector_load %arg12[%swap3A_290] {strides = array<i32>} : memref<512xf32, #tpu.memory_space<vmem>>, vector<16xf32>,
      %swap3A_292 = vector.shape_cast %swap3A_291 : vector<16xf32> to vector<16xf32>
      %swap3A_293 = vector.shape_cast %sub3A_287 : vector<16xf32> to vector<16xf32>
      tpu.vector_store %arg12[%swap3A_290], %swap3A_293 {strides = array<i32>} : memref<512xf32, #tpu.memory_space<vmem>>, vector<16xf32>,
    }
    %scan3A_222 = arith.constant 32 : i32
    "tpu.region"() ({
      %run_scoped3A = tpu.sem_alloc : memref<!tpu.dma_semaphore, #tpu.memory_space<semaphore_mem>>
      %dma_start3A_223 = tpu.memref_slice %arg4[%mul3A_5] : memref<16384xf32, #tpu.memory_space<hbm>> -> memref<512xf32, #tpu.memory_space<hbm>>
      %dma_start3A_224 = tpu.memref_slice %arg4[%mul3A_5] : memref<16384xf32, #tpu.memory_space<hbm>> -> memref<512xf32, #tpu.memory_space<hbm>>
      tpu.enqueue_dma source(%arg12 : memref<512xf32, #tpu.memory_space<vmem>>) target(%dma_start3A_224 : memref<512xf32, #tpu.memory_space<hbm>>) target_semaphore(%run_scoped3A : memref<!tpu.dma_semaphore, #tpu.memory_space<semaphore_mem>>)
      %dma_wait3A_225 = tpu.memref_slice %arg4[%mul3A_5] : memref<16384xf32, #tpu.memory_space<hbm>> -> memref<512xf32, #tpu.memory_space<hbm>>
      %dma_wait3A_226 = tpu.memref_slice %arg4[%mul3A_5] : memref<16384xf32, #tpu.memory_space<hbm>> -> memref<512xf32, #tpu.memory_space<hbm>>
      tpu.wait_dma2 semaphore(%run_scoped3A : memref<!tpu.dma_semaphore, #tpu.memory_space<semaphore_mem>>) src(%arg12 : memref<512xf32, #tpu.memory_space<vmem>>) dst(%dma_wait3A_226 : memref<512xf32, #tpu.memory_space<hbm>>)
      tpu.yield
    }) : () -> ()
    return
  }
}

</mosaic_0001>

<sc_bundles>
// kernel: kernel.3.cloned.1.call-start
scs
__scs_entry_jumppad:
0x0: {  	(pc) =	sbr.rel $0x88, $3  }
0x1: {  	(tag) =	ssettag $0x0;
	lr =	simm.s32 $0x1  }
0x2: {  	[smem:$0x3F9F] =	sst lr;
	_ =	strace $0xD0000000  }
0x3: {  	_ = 	snop  }
0x4: {  	_ = 	snop  }
0x5: {  	_ = 	snop  }
0x6: {  	_ = 	snop  }
0x7: {  	_ = 	snop  }
__scs_overlays_trampoline_lowered:
0x8: {  	[smem:$0x3FAE] =	sst s0  }
0x9: {  	[smem:$0x3FAF] =	sst s1  }
0xa: {  	[smem:$0x3FB0] =	sst s2  }
0xb: {  	[smem:$0x3FB1] =	sst s3  }
0xc: {  	[smem:$0x3FB2] =	sst s4  }
0xd: {  	[smem:$0x3FB3] =	sst s5  }
0xe: {  	[smem:$0x3FB4] =	sst s6  }
0xf: {  	[smem:$0x3FB5] =	sst s7  }
0x10: {  	[smem:$0x3FB6] =	sst s8  }
0x11: {  	[smem:$0x3FB7] =	sst s9;
	s0 =	simm.s32 @!p0 $0x0  }
0x12: {  	s1 =	sld [smem:$0x3F9D];
	s0 =	simm.s32 @p0 $0x1  }
0x13: {  	[smem:$0x3FB8] =	sst s0;
	s0 =	simm.s32 @!p1 $0x0  }
0x14: {  	s2 =	sld [smem:$0x3F9C];
	s0 =	simm.s32 @p1 $0x1  }
0x15: {  	[smem:$0x3FB9] =	sst s0;
	s0 =	simm.s32 @!p2 $0x0  }
0x16: {  	s3 =	sld [smem:$0x3FDB];
	s0 =	simm.s32 @p2 $0x1  }
0x17: {  	s4 =	simm.s32 $0x1BF5;
	[smem:$0x3FBB] =	sst s0  }
0x18: {  	s0 =	sld [smem:$0x3F9E];
	_ =	swait.ge [sflag:s4], $0x0  }
0x19: {  	s7 =	sld [smem:$0x3F9F]  }
0x1a: {  	s8 =	sadd.s32 $0xFFFFE003, lr  }
0x1b: {  	s9 =	sadd.s32 $0xFFFFFEF7, lr;
	s5 =	simm.s32 $0xFFFFFFFF;
	p2 =	slt.u32 s8, $0xFFFFF086  }
0x1c: {  	p1 =	slt.u32 s9, $0xF7A;
	s5 =	simm.s32 @!p2 $0x0  }
0x1d: {  	s5 =	simm.s32 @p1 $0x1;
	p0 =	seq.s32 s7, s2  }
0x1e: {  	s7 =	smul.u32 @!p0 $0xF7A, s2;
	p2 =	seq.s32 @!p0 s5, $0x0  }
0x1f: {  	s9 =	smul.u32 $0xF7A, s1;
	s8 =	simm.s32 @!p0 $0x1BF5;
	p2 =	por !p2, p0  }
0x20: {  	[sflag:s8] =	ssyncset.s32 @!p0 $0xFFFFF086;
	s6 =	sadd.s32 @!p0 s3, s7;
	s7 =	simm.s32 @!p0 $0x108  }
0x21: {  	s3 =	sadd.s32 s3, s9;
	s6 =	sadd.s32 @!p0 $0x88, s6;
	s7 =	simm.s32 @p2 $0x1082  }
0x22: {  	[simem:s7], [sflag:s8] =	dma.local @!p0 [hbm:s6], $0xF7A  }
0x23: {  	s9 =	sor.u32 $0xD0000000, s2;
	s6 =	simm.s32 $0x108;
	_ =	swait.ge @!p0 [sflag:s8], $0x0  }
0x24: {  	s3 =	sadd.s32 $0x88, s3;
	s6 =	simm.s32 @!p1 $0x1082;
	[sflag:s4] =	ssyncset.s32 $0xFFFFF086  }
0x25: {  	[simem:s6], [sflag:s4] =	dma.local [hbm:s3], $0xF7A  }
0x26: {  	[smem:$0x3F9F] =	sst s1;
	(tag) =	ssettag s2;
	_ =	strace s9  }
0x27: {  	s1 =	sld [smem:$0x3FAF]  }
0x28: {  	s2 =	sld [smem:$0x3FB0]  }
0x29: {  	s4 =	sld [smem:$0x3FB2]  }
0x2a: {  	p0 =	seq.s32 s5, $0x0;
	s5 =	sld [smem:$0x3FB3]  }
0x2b: {  	s6 =	sld [smem:$0x3FB4]  }
0x2c: {  	s7 =	sld [smem:$0x3FB5]  }
0x2d: {  	s3 =	simm.s32 $0x108;
	s8 =	sld [smem:$0x3FB6]  }
0x2e: {  	s3 =	simm.s32 @!p0 $0x1082;
	s9 =	sld [smem:$0x3FB7]  }
0x2f: {  	lr =	sadd.s32 s0, s3;
	s0 =	sld [smem:$0x3FAE]  }
0x30: {  	s3 =	sld [smem:$0x3FB1]  }
0x31: {  	[smem:$0x3FBA] =	sst s10  }
0x32: {  	s10 =	sld [smem:$0x3FB8];
	_ =	sdelay $0x3  }
0x33: {  	p0 =	seq.s32 s10, $0x1;
	s10 =	sld [smem:$0x3FBA];
	_ =	sdelay $0x3  }
0x34: {  	[smem:$0x3FBA] =	sst s10  }
0x35: {  	s10 =	sld [smem:$0x3FB9];
	_ =	sdelay $0x3  }
0x36: {  	p1 =	seq.s32 s10, $0x1;
	s10 =	sld [smem:$0x3FBA];
	_ =	sdelay $0x3  }
0x37: {  	[smem:$0x3FBA] =	sst s10  }
0x38: {  	s10 =	sld [smem:$0x3FBB]  }
0x39: {  	_ = 	snop;
	(pc) =	sbr.ind lr, $3  }
0x3a: {  	_ = 	snop  }
0x3b: {  	_ = 	snop  }
0x3c: {  	p2 =	seq.s32 s10, $0x1;
	s10 =	sld [smem:$0x3FBA]  }
0x3d: {  	_ =	shalt  }
0x3e: {  	_ =	shalt  }
0x3f: {  	_ =	shalt  }
0x40: {  	_ =	shalt  }
0x41: {  	_ =	shalt  }
0x42: {  	_ =	shalt  }
0x43: {  	_ =	shalt  }
0x44: {  	_ =	shalt  }
0x45: {  	_ =	shalt  }
0x46: {  	_ =	shalt  }
0x47: {  	_ =	shalt  }
0x48: {  	_ =	shalt  }
0x49: {  	_ =	shalt  }
0x4a: {  	_ =	shalt  }
0x4b: {  	_ =	shalt  }
0x4c: {  	_ =	shalt  }
0x4d: {  	_ =	shalt  }
0x4e: {  	_ =	shalt  }
0x4f: {  	_ =	shalt  }
0x50: {  	_ =	shalt  }
0x51: {  	_ =	shalt  }
0x52: {  	_ =	shalt  }
0x53: {  	_ =	shalt  }
0x54: {  	_ =	shalt  }
0x55: {  	_ =	shalt  }
0x56: {  	_ =	shalt  }
0x57: {  	_ =	shalt  }
0x58: {  	_ =	shalt  }
0x59: {  	_ =	shalt  }
0x5a: {  	_ =	shalt  }
0x5b: {  	_ =	shalt  }
0x5c: {  	_ =	shalt  }
0x5d: {  	_ =	shalt  }
0x5e: {  	_ =	shalt  }
0x5f: {  	_ =	shalt  }
0x60: {  	_ =	shalt  }
0x61: {  	_ =	shalt  }
0x62: {  	_ =	shalt  }
0x63: {  	_ =	shalt  }
0x64: {  	_ =	shalt  }
0x65: {  	_ =	shalt  }
0x66: {  	_ =	shalt  }
0x67: {  	_ =	shalt  }
0x68: {  	_ =	shalt  }
0x69: {  	_ =	shalt  }
0x6a: {  	_ =	shalt  }
0x6b: {  	_ =	shalt  }
0x6c: {  	_ =	shalt  }
0x6d: {  	_ =	shalt  }
0x6e: {  	_ =	shalt  }
0x6f: {  	_ =	shalt  }
0x70: {  	_ =	shalt  }
0x71: {  	_ =	shalt  }
0x72: {  	_ =	shalt  }
0x73: {  	_ =	shalt  }
0x74: {  	_ =	shalt  }
0x75: {  	_ =	shalt  }
0x76: {  	_ =	shalt  }
0x77: {  	_ =	shalt  }
0x78: {  	_ =	shalt  }
0x79: {  	_ =	shalt  }
0x7a: {  	_ =	shalt  }
0x7b: {  	_ =	shalt  }
0x7c: {  	_ =	shalt  }
0x7d: {  	_ =	shalt  }
0x7e: {  	_ =	shalt  }
0x7f: {  	_ =	shalt  }
0x80: {  	_ =	shalt  }
0x81: {  	_ =	shalt  }
0x82: {  	_ =	shalt  }
0x83: {  	_ =	shalt  }
0x84: {  	_ =	shalt  }
0x85: {  	_ =	shalt  }
0x86: {  	_ =	shalt  }
0x87: {  	_ =	shalt  }
.Lfunc_end0:
.L_simem_size_0:
called_computation_lowered:
.L_overlay_start_0:
0x88: {  	s2 =	sld [smem:$0x3FD9]  }
0x89: {  	s3 =	sld [smem:$0x3FFE];
	_ =	sdelay $0x1  }
0x8a: {  	s1 =	srdreg.scid  }
0x8b: {  	s0 =	sand.u32 $0x1, s1  }
0x8c: {  	s18 =	sshll.u32 s0, $0xA;
	s2 =	sadd.s32 s3, s2  }
0x8d: {  	s2 =	sadd.s32 s2, s18  }
0x8e: {  	[smem:$0x3FC6] =	sst s2  }
0x8f: {  	_ = 	snop  }
0x90: {  	s2 =	sld [smem:$0x3FC9]  }
0x91: {  	s19 =	sld [smem:$0x3FC8]  }
0x92: {  	s4 =	sld [smem:$0x3FD0];
	(tm) =	ssettm $0x1  }
0x93: {  	s5 =	sld [smem:$0x3FFB];
	_ =	sdelay $0x3  }
0x94: {  	_ =	strace s5  }
0x95: {  	s5 =	sld [smem:$0x3FFC];
	_ =	sdelay $0x3  }
0x96: {  	_ =	strace s5  }
0x97: {  	s5 =	sld [smem:$0x3FFD];
	_ =	sdelay $0x3  }
0x98: {  	_ =	strace s5  }
0x99: {  	_ =	strace $0x8FFFFFFF  }
0x9a: {  	s20 =	sld [smem:$0x3FDB];
	_ =	sdelay $0x1  }
0x9b: {  	s6 =	simm.s32 $_scs_section_size  }
0x9c: {  	s7 =	simm.s32 $_size__tile_overlayer_lowered;
	s8 =	simm.s32 $_tile_overlayer_lowered  }
0x9d: {  	s23 =	simm.s32 $0x1BFF;
	s22 =	sshll.u32 s8, $0x1;
	s5 =	sadd.s32 s6, s20  }
0x9e: {  	s9 =	simm.s32 $0x0;
	s21 =	sshll.u32 s7, $0x1;
	s7 =	sadd.s32 s22, s5  }
0x9f: {  	[timem:s9], [sflag:s23] =	dma.local [hbm:s7], s21  }
0xa0: {  	_ =	swait.ge [sflag:s23], s21  }
0xa1: {  	s6 =	ssub.s32 $0x0, s21;
	[sflag:s23] =	ssyncset.done $0x0  }
0xa2: {  	[sflag:s23] =	ssyncadd.s32 s6;
	_ =	sdelay $0x1  }
0xa3: {  	s24 =	simm.s32 $0x1B8B  }
0xa4: {  	_ =	swait.ge [sflag:s24], $0x1  }
0xa5: {  	[sflag:s24] =	ssyncset.done $0x0  }
0xa6: {  	s25 =	simm.s32 $0x1B8E;
	[sflag:s24] =	ssyncadd.s32 $0xFFFFFFFF  }
0xa7: {  	s26 =	simm.s32 $execute0_lowered;
	[smem:$0x3FD2] =	sst s25  }
0xa8: {  	s6 =	sshll.u32 s26, $0x1;
	_ =	strace $0x80000046;
	[dreg:$0x1] =	wrdreg $0xFFFFFFFF  }
0xa9: {  	s28 =	simm.s32 $_size_execute0_lowered;
	s5 =	sadd.s32 s5, s6;
	[dreg:$0x0] =	wrdreg $0x0  }
0xaa: {  	s6 =	sshll.u32 s28, $0x1;
	[dreg:$0x2] =	wrdreg s5  }
0xab: {  	[dreg:$0x3] =	wrdreg s6  }
0xac: {  	[dreg:$0x4] =	wrdreg $0xC0  }
0xad: {  	_ =	task [dreg:s9], $0x5FFFF  }
0xae: {  	[dreg:$0x1] =	wrdreg $0xFFFFFFFF  }
0xaf: {  	[dreg:$0x0] =	wrdreg $0x60  }
0xb0: {  	[dreg:$0x2] =	wrdreg s2  }
0xb1: {  	[dreg:$0x3] =	wrdreg s19  }
0xb2: {  	[dreg:$0x4] =	wrdreg s4  }
0xb3: {  	[dreg:$0x5] =	wrdreg $0xFE000  }
0xb4: {  	[dreg:$0x6] =	wrdreg $0x9  }
0xb5: {  	_ =	task.clear_ibuf [dreg:s9], $0x7FFFF;
	_ =	strace $0x90000046  }
0xb6: {  	s29 =	simm.s32 $0x9;
	_ =	strace $0x80000048  }
0xb7: {  	_ =	swait.ge [sflag:s29], $0x1  }
0xb8: {  	[sflag:s29] =	ssyncadd.s32 $0xFFFFFFFF  }
0xb9: {  	_ =	strace $0x90000048  }
0xba: {  	_ =	sfence  }
0xbb: {  	s30 =	sld [smem:$0x0];
	_ =	sdelay $0x2  }
0xbc: {  	s31 =	sshll.u32 s1, $0xD;
	s1 =	sshrl.u32 s1, $0x2  }
0xbd: {  	s3 =	sand.u32 $0x4000, s31;
	s1 =	sadd.s32 s1, s30  }
0xbe: {  	s0 =	sor.u32 s3, s0;
	s1 =	sshll.u32 s1, $0x11  }
0xbf: {  	s0 =	sor.u32 s1, s0  }
0xc0: {  	s0 =	sadd.s32 $0x8F2B, s0  }
0xc1: {  	[sflag:s0] =	ssyncadd.remote.s32 $0x1  }
0xc2: {  	_ =	sfence.sel $0xFFFF  }
0xc3: {  	[dreg:$0x0] =	wrdreg $0xFFFFFFFF;
	(pc) =	sbr.abs _section_cstart, $3  }
0xc4: {  	[dreg:$0x1] =	wrdreg $0xFFFFFFFF  }
0xc5: {  	_ =	task.clear_ibuf [dreg:s9], $0x2FFFF;
	_ =	strace $0x9FFFFFFF  }
0xc6: {  	(tm) =	ssettm $0x7FFFFFFF  }
0xc7: {  	_ =	shalt  }
tec
execute0_lowered:
.L_overlay_start_1:
0x0: {  	(tag) =	ssettag $0x1  }
0x1: {  	s1 =	rddreg [dreg:$0x0]  }
0x2: {  	s6 =	rddreg [dreg:$0x1]  }
0x3: {  	s10 =	rddreg [dreg:$0x2]  }
0x4: {  	s3 =	rddreg [dreg:$0x3]  }
0x5: {  	s5 =	srdreg.scid;
	s4 =	simm.s32 $0x0;
	s2 =	stileid.u32  }
0x6: {  	s14 =	simm.s32 $0x200;
	s15 =	simm.s32 $0xFA00;
	s16 =	simm.s32 $0x7A00  }
0x7: {  	s17 =	simm.s32 $0x1;
	s18 =	simm.s32 $0x2;
	s19 =	simm.s32 $0xF400  }
0x8: {  	s20 =	simm.s32 $0x3;
	s21 =	simm.s32 $0xF680;
	s22 =	simm.s32 $0xF700  }
0x9: {  	s23 =	simm.s32 $0xFC00;
	s24 =	simm.s32 $0x0;
	s5 =	sand.u32 $0x1, s5  }
0xa: {  	[smem:$0x7FF] =	sst s4;
	s8 =	smul.u32 $0xF400, s2;
	s11 =	sshll.u32 s2, $0x7  }
0xb: {  	s31 =	sshll.u32 s2, $0x4;
	p0 =	sne.s32 s2, $0xF;
	s7 =	ssub.s32 $0x2, s5  }
0xc: {  	_ =	strace $0x80000047;
	s12 =	sshll.u32 s5, $0x6;
	s9 =	sshrl.u32 s7, $0x1  }
0xd: {  	s8 =	sshrl.u32 s8, $0x3;
	s11 =	sor.u32 s12, s11;
	s12 =	simm.s32 $0xF800  }
0xe: {  	s13 =	ssub.s32 s7, s9;
	s5 =	sadd.s32 s1, s8;
	s6 =	sadd.s32 s6, s11  }
0xf: {  	s8 =	sadd.s32 $0x1E800, s1;
	s9 =	sadd.s32 s31, s3;
	s10 =	sadd.s32 s10, s11  }
0x10: {  	v0 =	vimm.s32 $0x0;
	s7 =	sadd.s32 $0xF40, s5;
	s11 =	smax.u32 s13, $0x1;
	s13 =	simm.s32 $0x4  }
.LBB2_1:
0x11: {  	[tilespmem:s4], [sflag:$0x1] =	stream.linear.gather [hbm4b:s5+s4], $0x7A00, $0x38;
	[tilespmem:$0xFE10] =	vst v63  }
0x12: {  	_ = 	snop  }
0x13: {  	[tilespmem:s12], [sflag:$0x4] =	stream.linear.gather [hbm4b:s6+s4], $0x200, $0x38;
	[tilespmem:$0xFE10] =	vst v63  }
0x14: {  	_ =	swait.ge [sflag:s13], $0x200  }
0x15: {  	[sflag:s13] =	ssyncset.done $0x0  }
0x16: {  	[sflag:s13] =	ssyncadd.s32 $0xFFFFFE00  }
0x17: {  	[tilespmem:s15], [sflag:$0x3] =	stream.indirect.gather [hbm4b:s1+s14], $0x1, s12, s14, $0xb8;
	[tilespmem:$0xFE10] =	vst v63  }
0x18: {  	_ = 	snop  }
0x19: {  	[tilespmem:s16], [sflag:$0x2] =	stream.linear.gather [hbm4b:s7+s4], $0x7A00, $0x38;
	[tilespmem:$0xFE10] =	vst v63  }
0x1a: {  	_ =	swait.ge [sflag:s17], $0x7A00  }
0x1b: {  	[sflag:s17] =	ssyncset.done $0x0  }
0x1c: {  	s28 =	simm.s32 $0x0;
	[sflag:s17] =	ssyncadd.s32 $0xFFFF8600  }
0x1d: {  	v1 =	vld [tilespmem:s28+$0x70]  }
0x1e: {  	v3 =	vld [tilespmem:s28+$0x0]  }
0x1f: {  	v5 =	vld [tilespmem:s28+$0x10]  }
0x20: {  	v6 =	vld [tilespmem:s28+$0x20]  }
0x21: {  	v9 =	vld [tilespmem:s28+$0x30]  }
0x22: {  	v4 =	vimm.f32 $0.0e+00;
	v10 =	vimm.f32 $0.0e+00;
	v7 =	vld [tilespmem:s28+$0x40]  }
0x23: {  	v11 =	vimm.f32 $0.0e+00;
	v8 =	vimm.f32 $0.0e+00;
	v12 =	vld [tilespmem:s28+$0x50];
	v2 =	vadd.f32 v1, v4  }
0x24: {  	s25 =	simm.s32 $0x80;
	s26 =	simm.s32 $0x400;
	v13 =	vld [tilespmem:s28+$0x60];
	v1 =	vadd.f32 v3, v4;
	v3 =	vadd.f32 v5, v4;
	v5 =	vimm.f32 $0.0e+00  }
.LBB2_2:
0x25: {  	p1 =	sne.s32 s26, $0x1E600;
	v14 =	vld [tilespmem:s25+$0x70];
	v4 =	vadd.f32 v6, v4  }
0x26: {  	v15 =	vld [tilespmem:s25+$0x0];
	v5 =	vadd.f32 v9, v5  }
0x27: {  	v16 =	vld [tilespmem:s25+$0x10];
	v10 =	vadd.f32 v7, v10  }
.Ltmp0:
0x28: {  	v6 =	vld [tilespmem:s25+$0x20];
	v11 =	vadd.f32 v12, v11;
	(pc) =	sbr.rel @p1 .LBB2_2-.Ltmp0, $4  }
0x29: {  	v9 =	vld [tilespmem:s25+$0x30];
	v8 =	vadd.f32 v13, v8  }
0x2a: {  	v7 =	vld [tilespmem:s25+$0x40];
	v2 =	vadd.f32 v14, v2  }
0x2b: {  	v1 =	vadd.f32 v15, v1;
	v12 =	vld [tilespmem:s25+$0x50]  }
0x2c: {  	v3 =	vadd.f32 v16, v3;
	v13 =	vld [tilespmem:s25+$0x60];
	s25 =	sshra.s32 s26, $0x2;
	s26 =	sadd.s32 $0x200, s26  }
0x2d: {  	v14 =	vld [tilespmem:s25+$0x70]  }
0x2e: {  	v15 =	vld [tilespmem:s25+$0x0]  }
0x2f: {  	v16 =	vld [tilespmem:s25+$0x10]  }
0x30: {  	v17 =	vld [tilespmem:s25+$0x20]  }
0x31: {  	v18 =	vld [tilespmem:s25+$0x30]  }
0x32: {  	v19 =	vld [tilespmem:s25+$0x40]  }
0x33: {  	v20 =	vld [tilespmem:s25+$0x50]  }
0x34: {  	v21 =	vld [tilespmem:s25+$0x60];
	_ =	swait.ge [sflag:s18], $0x7A00  }
0x35: {  	[sflag:s18] =	ssyncset.done $0x0  }
0x36: {  	s28 =	simm.s32 $0x0;
	[sflag:s18] =	ssyncadd.s32 $0xFFFF8600  }
0x37: {  	v4 =	vadd.f32 v6, v4;
	v5 =	vadd.f32 v9, v5;
	v6 =	vld [tilespmem:s28+$0x7A70]  }
0x38: {  	v7 =	vadd.f32 v7, v10;
	v11 =	vadd.f32 v12, v11;
	v22 =	vld [tilespmem:s28+$0x7A00]  }
0x39: {  	v8 =	vadd.f32 v13, v8;
	v13 =	vld [tilespmem:s28+$0x7A10];
	v12 =	vadd.f32 v14, v2  }
0x3a: {  	v9 =	vld [tilespmem:s28+$0x7A20];
	v14 =	vadd.f32 v15, v1;
	v15 =	vadd.f32 v16, v3  }
0x3b: {  	v10 =	vld [tilespmem:s28+$0x7A30];
	v3 =	vadd.f32 v17, v4;
	v1 =	vadd.f32 v18, v5  }
0x3c: {  	v4 =	vadd.f32 v19, v7;
	v2 =	vadd.f32 v20, v11;
	v11 =	vld [tilespmem:s28+$0x7A40]  }
0x3d: {  	v5 =	vadd.f32 v21, v8;
	v6 =	vadd.f32 v6, v12;
	v12 =	vld [tilespmem:s28+$0x7A50]  }
0x3e: {  	s25 =	simm.s32 $0x80;
	s26 =	simm.s32 $0x400;
	v7 =	vadd.f32 v22, v14;
	v8 =	vadd.f32 v13, v15;
	v13 =	vld [tilespmem:s28+$0x7A60]  }
.LBB2_4:
0x3f: {  	p1 =	sne.s32 s26, $0x1E600;
	v14 =	vld [tilespmem:s25+$0x7A70];
	v3 =	vadd.f32 v9, v3  }
0x40: {  	v15 =	vld [tilespmem:s25+$0x7A00];
	v1 =	vadd.f32 v10, v1  }
0x41: {  	v16 =	vld [tilespmem:s25+$0x7A10];
	v4 =	vadd.f32 v11, v4  }
.Ltmp1:
0x42: {  	v9 =	vld [tilespmem:s25+$0x7A20];
	v2 =	vadd.f32 v12, v2;
	(pc) =	sbr.rel @p1 .LBB2_4-.Ltmp1, $4  }
0x43: {  	v10 =	vld [tilespmem:s25+$0x7A30];
	v5 =	vadd.f32 v13, v5  }
0x44: {  	v11 =	vld [tilespmem:s25+$0x7A40];
	v6 =	vadd.f32 v14, v6  }
0x45: {  	v7 =	vadd.f32 v15, v7;
	v12 =	vld [tilespmem:s25+$0x7A50]  }
0x46: {  	v8 =	vadd.f32 v16, v8;
	v13 =	vld [tilespmem:s25+$0x7A60];
	s25 =	sshra.s32 s26, $0x2;
	s26 =	sadd.s32 $0x200, s26  }
0x47: {  	v14 =	vld [tilespmem:s25+$0x7A70]  }
0x48: {  	v15 =	vld [tilespmem:s25+$0x7A00]  }
0x49: {  	v16 =	vld [tilespmem:s25+$0x7A10]  }
0x4a: {  	v17 =	vld [tilespmem:s25+$0x7A20]  }
0x4b: {  	v18 =	vld [tilespmem:s25+$0x7A30]  }
0x4c: {  	v19 =	vld [tilespmem:s25+$0x7A40]  }
0x4d: {  	v3 =	vadd.f32 v9, v3;
	v62 =	vld [tilespmem:s25+$0x7A50]  }
0x4e: {  	v63 =	vld [tilespmem:s25+$0x7A60];
	v1 =	vadd.f32 v10, v1;
	v4 =	vadd.f32 v11, v4  }
0x4f: {  	v2 =	vadd.f32 v12, v2;
	v5 =	vadd.f32 v13, v5  }
0x50: {  	v6 =	vadd.f32 v14, v6;
	v7 =	vadd.f32 v15, v7  }
0x51: {  	v8 =	vadd.f32 v16, v8;
	v3 =	vadd.f32 v17, v3  }
0x52: {  	v1 =	vadd.f32 v18, v1;
	v4 =	vadd.f32 v19, v4  }
0x53: {  	v2 =	vadd.f32 v62, v2;
	v5 =	vadd.f32 v63, v5  }
0x54: {  	v7 =	vadd.f32 v8, v7;
	v1 =	vadd.f32 v1, v3  }
0x55: {  	v2 =	vadd.f32 v2, v4;
	v3 =	vadd.f32 v6, v5;
	_ =	sdelay $0x1  }
.Ltmp2:
0x56: {  	v1 =	vadd.f32 v1, v7;
	v2 =	vadd.f32 v3, v2;
	(pc) =	sbr.rel @p0 .LBB2_7-.Ltmp2, $3  }
0x57: {  	_ = 	snop  }
0x58: {  	v1 =	vadd.f32 v2, v1;
	_ =	sdelay $0x1  }
0x59: {  	[tilespmem:$0xF680] =	vst v1  }
0x5a: {  	[tilespmem:s19], [sflag:$0x4] =	stream.linear.gather [hbm4b:s8+s4], $0x240, $0x38;
	[tilespmem:$0xFE10] =	vst v63  }
0x5b: {  	_ =	swait.ge [sflag:s13], $0x240  }
0x5c: {  	[sflag:s13] =	ssyncset.done $0x0  }
0x5d: {  	[sflag:s13] =	ssyncadd.s32 $0xFFFFFDC0  }
0x5e: {  	v1 =	vld [tilespmem:$0xF400];
	_ =	sdelay $0x1  }
0x5f: {  	v2 =	vld [tilespmem:$0xF410];
	_ =	sdelay $0x1  }
0x60: {  	v3 =	vld [tilespmem:$0xF420]  }
0x61: {  	v1 =	vadd.f32 $0.0e+00, v1  }
0x62: {  	v4 =	vld [tilespmem:$0xF430]  }
0x63: {  	v1 =	vadd.f32 v2, v1  }
0x64: {  	v2 =	vld [tilespmem:$0xF440]  }
0x65: {  	v1 =	vadd.f32 v3, v1  }
0x66: {  	v3 =	vld [tilespmem:$0xF450]  }
0x67: {  	v1 =	vadd.f32 v4, v1  }
0x68: {  	v53 =	vld [tilespmem:$0xF460]  }
0x69: {  	v1 =	vadd.f32 v2, v1  }
0x6a: {  	v2 =	vld [tilespmem:$0xF470]  }
0x6b: {  	v1 =	vadd.f32 v3, v1  }
0x6c: {  	v3 =	vld [tilespmem:$0xF480]  }
0x6d: {  	v1 =	vadd.f32 v53, v1  }
0x6e: {  	v54 =	vld [tilespmem:$0xF490]  }
0x6f: {  	v1 =	vadd.f32 v2, v1  }
0x70: {  	v2 =	vld [tilespmem:$0xF4A0]  }
0x71: {  	v1 =	vadd.f32 v3, v1  }
0x72: {  	v3 =	vld [tilespmem:$0xF4B0]  }
0x73: {  	v1 =	vadd.f32 v54, v1  }
0x74: {  	v55 =	vld [tilespmem:$0xF4C0]  }
0x75: {  	v1 =	vadd.f32 v2, v1  }
0x76: {  	v2 =	vld [tilespmem:$0xF4D0]  }
0x77: {  	v1 =	vadd.f32 v3, v1  }
0x78: {  	v3 =	vld [tilespmem:$0xF4E0]  }
0x79: {  	v1 =	vadd.f32 v55, v1  }
0x7a: {  	v56 =	vld [tilespmem:$0xF4F0]  }
0x7b: {  	v1 =	vadd.f32 v2, v1  }
0x7c: {  	v2 =	vld [tilespmem:$0xF500]  }
0x7d: {  	v1 =	vadd.f32 v3, v1  }
0x7e: {  	v3 =	vld [tilespmem:$0xF510]  }
0x7f: {  	v1 =	vadd.f32 v56, v1  }
0x80: {  	v57 =	vld [tilespmem:$0xF520]  }
0x81: {  	v1 =	vadd.f32 v2, v1  }
0x82: {  	v2 =	vld [tilespmem:$0xF530]  }
0x83: {  	v1 =	vadd.f32 v3, v1  }
0x84: {  	v3 =	vld [tilespmem:$0xF540]  }
0x85: {  	v1 =	vadd.f32 v57, v1  }
0x86: {  	v58 =	vld [tilespmem:$0xF550]  }
0x87: {  	v1 =	vadd.f32 v2, v1  }
0x88: {  	v2 =	vld [tilespmem:$0xF560]  }
0x89: {  	v1 =	vadd.f32 v3, v1  }
0x8a: {  	v3 =	vld [tilespmem:$0xF570]  }
0x8b: {  	v1 =	vadd.f32 v58, v1  }
0x8c: {  	v59 =	vld [tilespmem:$0xF580]  }
0x8d: {  	v1 =	vadd.f32 v2, v1  }
0x8e: {  	v2 =	vld [tilespmem:$0xF590]  }
0x8f: {  	v1 =	vadd.f32 v3, v1  }
0x90: {  	v3 =	vld [tilespmem:$0xF5A0]  }
0x91: {  	v1 =	vadd.f32 v59, v1  }
0x92: {  	v60 =	vld [tilespmem:$0xF5B0]  }
0x93: {  	v1 =	vadd.f32 v2, v1  }
0x94: {  	v2 =	vld [tilespmem:$0xF5C0]  }
0x95: {  	v1 =	vadd.f32 v3, v1  }
0x96: {  	v3 =	vld [tilespmem:$0xF5D0]  }
0x97: {  	v1 =	vadd.f32 v60, v1  }
0x98: {  	v61 =	vld [tilespmem:$0xF5E0]  }
0x99: {  	v1 =	vadd.f32 v2, v1  }
0x9a: {  	v2 =	vld [tilespmem:$0xF5F0]  }
0x9b: {  	v1 =	vadd.f32 v3, v1  }
0x9c: {  	v3 =	vld [tilespmem:$0xF600]  }
0x9d: {  	v1 =	vadd.f32 v61, v1  }
0x9e: {  	v62 =	vld [tilespmem:$0xF610]  }
0x9f: {  	v1 =	vadd.f32 v2, v1  }
0xa0: {  	v2 =	vld [tilespmem:$0xF620]  }
0xa1: {  	v1 =	vadd.f32 v3, v1  }
0xa2: {  	v3 =	vld [tilespmem:$0xF630]  }
0xa3: {  	v1 =	vadd.f32 v62, v1  }
0xa4: {  	v63 =	vld [tilespmem:$0xF680]  }
0xa5: {  	v1 =	vadd.f32 v2, v1;
	_ =	sdelay $0x1  }
0xa6: {  	v1 =	vadd.f32 v3, v1;
	_ =	sdelay $0x1  }
0xa7: {  	v1 =	vadd.f32 v1, v63;
	_ =	sdelay $0x1  }
0xa8: {  	[tilespmem:$0xF680] =	vst v1  }
.LBB2_7:
0xa9: {  	_ =	swait.ge [sflag:s20], $0x200  }
0xaa: {  	[sflag:s20] =	ssyncset.done $0x0  }
0xab: {  	[sflag:s20] =	ssyncadd.s32 $0xFFFFFE00  }
0xac: {  	[spmem:s9] =	stream.linear.scatter [tilespmem:s21], [sflag:$0x4], $0x10, $0x38;
	[tilespmem:$0xFE10] =	vst v63  }
0xad: {  	_ =	swait.ge [sflag:s13], $0x10  }
0xae: {  	[sflag:s13] =	ssyncset.done $0x0  }
0xaf: {  	[sflag:s13] =	ssyncadd.s32 $0xFFFFFFF0  }
0xb0: {  	[bflag:$0x0] =	sbarrier.arrive $0xFFFF  }
0xb1: {  	[tilespmem:s22], [sflag:$0x4] =	stream.linear.gather [spmem:s3], $0x100, $0x38;
	[tilespmem:$0xFE10] =	vst v63  }
0xb2: {  	_ =	swait.ge [sflag:s13], $0x100  }
0xb3: {  	[sflag:s13] =	ssyncset.done $0x0  }
0xb4: {  	[sflag:s13] =	ssyncadd.s32 $0xFFFFFF00  }
0xb5: {  	v1 =	vld [tilespmem:$0xF700]  }
0xb6: {  	v2 =	vld [tilespmem:$0xF710];
	_ =	sdelay $0x1  }
0xb7: {  	v3 =	vld [tilespmem:$0xF720];
	_ =	sdelay $0x1  }
0xb8: {  	v4 =	vld [tilespmem:$0xF730]  }
0xb9: {  	v1 =	vadd.f32 v2, v1  }
0xba: {  	v2 =	vld [tilespmem:$0xF740]  }
0xbb: {  	v1 =	vadd.f32 v3, v1  }
0xbc: {  	v3 =	vld [tilespmem:$0xF750]  }
0xbd: {  	v1 =	vadd.f32 v4, v1  }
0xbe: {  	v4 =	vld [tilespmem:$0xF760]  }
0xbf: {  	v1 =	vadd.f32 v2, v1  }
0xc0: {  	v2 =	vld [tilespmem:$0xF770]  }
0xc1: {  	v1 =	vadd.f32 v3, v1  }
0xc2: {  	v3 =	vld [tilespmem:$0xF780]  }
0xc3: {  	v1 =	vadd.f32 v4, v1  }
0xc4: {  	v4 =	vld [tilespmem:$0xF790]  }
0xc5: {  	v1 =	vadd.f32 v2, v1  }
0xc6: {  	v2 =	vld [tilespmem:$0xF7A0]  }
0xc7: {  	v1 =	vadd.f32 v3, v1  }
0xc8: {  	v3 =	vld [tilespmem:$0xF7B0]  }
0xc9: {  	v1 =	vadd.f32 v4, v1  }
0xca: {  	v4 =	vld [tilespmem:$0xF7C0]  }
0xcb: {  	v1 =	vadd.f32 v2, v1  }
0xcc: {  	v2 =	vld [tilespmem:$0xF7D0]  }
0xcd: {  	v1 =	vadd.f32 v3, v1  }
0xce: {  	v3 =	vld [tilespmem:$0xF7E0]  }
0xcf: {  	v1 =	vadd.f32 v4, v1  }
0xd0: {  	v4 =	vld [tilespmem:$0xF7F0]  }
0xd1: {  	v1 =	vadd.f32 v2, v1;
	_ =	sdelay $0x1  }
0xd2: {  	v1 =	vadd.f32 v3, v1;
	_ =	sdelay $0x1  }
0xd3: {  	v1 =	vadd.f32 v4, v1;
	_ =	sdelay $0x1  }
0xd4: {  	(v2sf) =	vpush v1, $0x0  }
0xd5: {  	(v2sf) =	vpush v1, $0x1;
	_ =	sdelay $0x1  }
0xd6: {  	(v2sf) =	vpush v1, $0x2;
	_ =	sdelay $0x1  }
0xd7: {  	(v2sf) =	vpush v1, $0x3;
	_ =	sdelay $0x1  }
0xd8: {  	(v2sf) =	vpush v1, $0x4;
	_ =	sdelay $0x1  }
0xd9: {  	(v2sf) =	vpush v1, $0x5;
	_ =	sdelay $0x1  }
0xda: {  	(v2sf) =	vpush v1, $0x6;
	_ =	sdelay $0x1  }
0xdb: {  	(v2sf) =	vpush v1, $0x7;
	_ =	sdelay $0x1  }
0xdc: {  	s25 =	spop (v2sf);
	(v2sf) =	vpush v1, $0x8  }
0xdd: {  	s26 =	spop (v2sf)  }
0xde: {  	(v2sf) =	vpush v1, $0x9;
	s25 =	sadd.f32 s26, s25  }
0xdf: {  	s0 =	spop (v2sf)  }
0xe0: {  	(v2sf) =	vpush v1, $0xA;
	s25 =	sadd.f32 s25, s0  }
0xe1: {  	s0 =	spop (v2sf)  }
0xe2: {  	(v2sf) =	vpush v1, $0xB;
	s25 =	sadd.f32 s25, s0  }
0xe3: {  	s0 =	spop (v2sf)  }
0xe4: {  	(v2sf) =	vpush v1, $0xC;
	s25 =	sadd.f32 s25, s0  }
0xe5: {  	s0 =	spop (v2sf)  }
0xe6: {  	(v2sf) =	vpush v1, $0xD;
	s25 =	sadd.f32 s25, s0  }
0xe7: {  	s0 =	spop (v2sf)  }
0xe8: {  	(v2sf) =	vpush v1, $0xE;
	s25 =	sadd.f32 s25, s0  }
0xe9: {  	s0 =	spop (v2sf)  }
0xea: {  	(v2sf) =	vpush v1, $0xF;
	s25 =	sadd.f32 s25, s0  }
0xeb: {  	s0 =	spop (v2sf)  }
0xec: {  	s25 =	sadd.f32 s25, s0  }
0xed: {  	s0 =	spop (v2sf)  }
0xee: {  	s25 =	sadd.f32 s25, s0  }
0xef: {  	s0 =	spop (v2sf)  }
0xf0: {  	s25 =	sadd.f32 s25, s0  }
0xf1: {  	s0 =	spop (v2sf)  }
0xf2: {  	s25 =	sadd.f32 s25, s0  }
0xf3: {  	s0 =	spop (v2sf)  }
0xf4: {  	s25 =	sadd.f32 s25, s0  }
0xf5: {  	s0 =	spop (v2sf)  }
0xf6: {  	s25 =	sadd.f32 s25, s0  }
0xf7: {  	s0 =	spop (v2sf)  }
0xf8: {  	s25 =	sadd.f32 s25, s0  }
0xf9: {  	s0 =	spop (v2sf)  }
0xfa: {  	s25 =	sadd.f32 s25, s0;
	_ =	sdelay $0x1  }
0xfb: {  	v1 =	vmov s25  }
0xfc: {  	v1 =	vadd.f32 $0.0e+00, v1;
	_ =	sdelay $0x1  }
0xfd: {  	v1 =	vbroadcast v1, $0x0;
	_ =	sdelay $0x1  }
0xfe: {  	v2 =	vand.u32 $0x7FFFFF, v1  }
0xff: {  	v2 =	vor.u32 $0x3F800000, v2  }
0x100: {  	v3 =	vmul.f32 $5.000000000e-01, v2  }
0x101: {  	vm1 =	vge.f32 v2, $1.414213540e+00  }
0x102: {  	v2 =	vsel vm1, v3, v2  }
0x103: {  	v3 =	vadd.f32 $1.000000000e+00, v2;
	_ =	sdelay $0x1  }
0x104: {  	s25 =	simm.s32 $0x0;
	(erf) = vrcp.f32 v3  }
0x105: {  	v5 =	vld [tilespmem:s25+$0xFA00];
	_ =	sdelay $0x4  }
0x106: {  	v3 =	vand.u32 $0x7FFFFF, v5  }
0x107: {  	v3 =	vor.u32 $0x3F800000, v3  }
0x108: {  	v2 =	vadd.f32 $-1.000000000e+00, v2;
	v6 =	vmul.f32 $5.000000000e-01, v3  }
0x109: {  	s26 =	simm.s32 $0x10;
	vm0 =	vge.f32 v3, $1.414213540e+00;
	v4 =	vpop (erf)  }
0x10a: {  	v3 =	vsel vm0, v6, v3;
	v7 =	vmul.f32 v4, v2;
	v4 =	vld [tilespmem:s26+$0xFA00]  }
0x10b: {  	v2 =	vadd.f32 $1.000000000e+00, v3  }
0x10c: {  	v6 =	vmul.f32 v7, v7  }
0x10d: {  	(erf) = vrcp.f32 v2  }
0x10e: {  	v2 =	vmul.f32 $1.428571490e-01, v6  }
0x10f: {  	v8 =	vand.u32 $0x7FFFFF, v4  }
0x110: {  	v2 =	vadd.f32 $2.000000030e-01, v2;
	v8 =	vor.u32 $0x3F800000, v8  }
0x111: {  	v9 =	vmul.f32 $5.000000000e-01, v8  }
0x112: {  	vm2 =	vge.f32 v8, $1.414213540e+00;
	v2 =	vmul.f32 v2, v6  }
0x113: {  	s28 =	simm.s32 $0x20;
	v9 =	vsel vm2, v9, v8  }
0x114: {  	v8 =	vadd.f32 $3.333333430e-01, v2;
	v2 =	vld [tilespmem:s28+$0xFA00];
	v10 =	vadd.f32 $1.000000000e+00, v9  }
0x115: {  	v1 =	vshrl.u32 v1, $0x17;
	v11 =	vsel vm1, $0x1, v0;
	v3 =	vadd.f32 $-1.000000000e+00, v3  }
0x116: {  	v1 =	vadd.s32 v11, v1;
	v8 =	vmul.f32 v8, v6;
	(erf) = vrcp.f32 v10;
	v6 =	vpop (erf)  }
0x117: {  	v1 =	vadd.s32 $0xFFFFFF81, v1;
	v6 =	vmul.f32 v6, v3  }
0x118: {  	v1 =	vcvt.s32.f32 v1;
	v3 =	vadd.f32 v7, v7;
	v7 =	vadd.f32 $1.000000000e+00, v8  }
0x119: {  	s29 =	simm.s32 $0x30;
	v8 =	vand.u32 $0x7FFFFF, v2;
	v10 =	vmul.f32 v6, v6  }
0x11a: {  	v1 =	vmul.f32 $6.931471820e-01, v1;
	v7 =	vmul.f32 v7, v3;
	v8 =	vor.u32 $0x3F800000, v8;
	v3 =	vld [tilespmem:s29+$0xFA00]  }
0x11b: {  	vm0 =	vmmov vm0;
	v11 =	vmul.f32 $5.000000000e-01, v8;
	v12 =	vmul.f32 $1.428571490e-01, v10  }
0x11c: {  	v5 =	vshrl.u32 v5, $0x17;
	vm0 =	vmmov vm0;
	vm1 =	vge.f32 v8, $1.414213540e+00  }
0x11d: {  	v1 =	vadd.f32 v7, v1;
	v8 =	vsel vm1, v11, v8;
	v7 =	vadd.f32 $2.000000030e-01, v12  }
0x11e: {  	vm3 =	vmmov vm0;
	v9 =	vadd.f32 $-1.000000000e+00, v9;
	v11 =	vadd.f32 $1.000000000e+00, v8  }
0x11f: {  	vm2 =	vmmov vm2;
	v12 =	vand.u32 $0x7FFFFF, v3;
	v13 =	vpop (erf);
	v7 =	vmul.f32 v7, v10  }
0x120: {  	v14 =	vor.u32 $0x3F800000, v12;
	v9 =	vmul.f32 v13, v9;
	(erf) = vrcp.f32 v11  }
0x121: {  	vm0 =	vmmov vm2;
	v13 =	vsel vm3, $0x1, v0;
	v11 =	vmul.f32 $5.000000000e-01, v14  }
0x122: {  	v12 =	vadd.f32 $3.333333430e-01, v7;
	v13 =	vadd.s32 v13, v5;
	v7 =	vmul.f32 v9, v9  }
0x123: {  	s30 =	simm.s32 $0x40;
	vm1 =	vmmov vm1;
	vm2 =	vge.f32 v14, $1.414213540e+00;
	v13 =	vadd.s32 $0xFFFFFF81, v13  }
0x124: {  	s31 =	simm.s32 $0x140;
	v5 =	vld [tilespmem:s30+$0xFA00];
	v12 =	vmul.f32 v12, v10;
	v10 =	vsel vm2, v11, v14;
	v11 =	vmul.f32 $1.428571490e-01, v7  }
.LBB2_8:
0x125: {  	p1 =	sne.s32 s31, $0x7C0;
	v13 =	vcvt.s32.f32 v13;
	v14 =	vadd.f32 v6, v6  }
0x126: {  	v12 =	vadd.f32 $1.000000000e+00, v12;
	v6 =	vmovc v9;
	vm3 =	vmmov vm0;
	vm0 =	vmmov vm1;
	s0 =	smov.u32 s28;
	s28 =	smov.u32 s29;
	s29 =	smov.u32 s30  }
0x127: {  	v16 =	vadd.f32 $1.000000000e+00, v10;
	vm1 =	vmmov vm2;
	v11 =	vadd.f32 $2.000000030e-01, v11  }
0x128: {  	v15 =	vadd.f32 $-1.000000000e+00, v8;
	v8 =	vmovc v10;
	v12 =	vmul.f32 v12, v14;
	v13 =	vmul.f32 $6.931471820e-01, v13  }
0x129: {  	v10 =	vand.u32 $0x7FFFFF, v5;
	(erf) = vrcp.f32 v16;
	v9 =	vpop (erf);
	v11 =	vmul.f32 v11, v7  }
.Ltmp3:
0x12a: {  	v10 =	vor.u32 $0x3F800000, v10;
	v9 =	vmul.f32 v9, v15;
	v12 =	vadd.f32 v12, v13;
	(pc) =	sbr.rel @p1 .LBB2_8-.Ltmp3, $4  }
0x12b: {  	v14 =	vshrl.u32 v4, $0x17;
	v4 =	vmovc v2;
	v2 =	vmovc v3;
	v13 =	vmul.f32 $5.000000000e-01, v10;
	v11 =	vadd.f32 $3.333333430e-01, v11  }
0x12c: {  	s30 =	sshra.s32 s31, $0x2;
	v16 =	vsel vm3, $0x1, v0;
	v3 =	vmovc v5;
	v15 =	vmul.f32 v9, v9;
	v17 =	vsub.f32 v12, v1  }
0x12d: {  	v14 =	vadd.s32 v16, v14;
	vm2 =	vge.f32 v10, $1.414213540e+00;
	v5 =	vld [tilespmem:s30+$0xFA00];
	v12 =	vmul.f32 v11, v7  }
0x12e: {  	s31 =	sadd.s32 $0x40, s31;
	v10 =	vsel vm2, v13, v10;
	v13 =	vadd.s32 $0xFFFFFF81, v14;
	v11 =	vmul.f32 $1.428571490e-01, v15;
	[tilespmem:s25+$0xFC00] =	vst v17;
	v7 =	vmovc v15;
	s25 =	smov.u32 s26;
	s26 =	smov.u32 s0  }
0x12f: {  	_ =	sdelay $0x2  }
0x130: {  	v14 =	vand.u32 $0x7FFFFF, v5  }
0x131: {  	v14 =	vor.u32 $0x3F800000, v14  }
0x132: {  	v15 =	vmul.f32 $5.000000000e-01, v14  }
0x133: {  	vm3 =	vge.f32 v14, $1.414213540e+00  }
0x134: {  	v16 =	vadd.f32 $1.000000000e+00, v10;
	v14 =	vsel vm3, v15, v14  }
0x135: {  	v15 =	vadd.f32 $1.000000000e+00, v14  }
0x136: {  	v8 =	vadd.f32 $-1.000000000e+00, v8;
	v13 =	vcvt.s32.f32 v13;
	(erf) = vrcp.f32 v16  }
0x137: {  	v6 =	vadd.f32 v6, v6;
	v12 =	vadd.f32 $1.000000000e+00, v12;
	(erf) = vrcp.f32 v15  }
0x138: {  	vm0 =	vmmov vm0;
	vm11 =	vmmov vm1;
	vm12 =	vmmov vm2  }
0x139: {  	v4 =	vshrl.u32 v4, $0x17;
	v46 =	vadd.f32 $-1.000000000e+00, v10;
	v9 =	vadd.f32 v9, v9  }
0x13a: {  	v2 =	vshrl.u32 v2, $0x17;
	v3 =	vshrl.u32 v3, $0x17;
	v11 =	vadd.f32 $2.000000030e-01, v11  }
0x13b: {  	v42 =	vsel vm0, $0x1, v0;
	vm0 =	vmmov vm11;
	v6 =	vmul.f32 v12, v6;
	v41 =	vpop (erf)  }
0x13c: {  	vm1 =	vmmov vm12;
	v43 =	vmul.f32 $6.931471820e-01, v13;
	v8 =	vmul.f32 v41, v8  }
0x13d: {  	v4 =	vadd.s32 v42, v4;
	v55 =	vsel vm0, $0x1, v0;
	vm14 =	vmmov vm1  }
0x13e: {  	v11 =	vmul.f32 v11, v7;
	v4 =	vadd.s32 $0xFFFFFF81, v4;
	v44 =	vmul.f32 v8, v8  }
0x13f: {  	v2 =	vadd.s32 v55, v2;
	v58 =	vsel vm14, $0x1, v0;
	v50 =	vadd.f32 $-1.000000000e+00, v14;
	v49 =	vpop (erf)  }
0x140: {  	v60 =	vshrl.u32 v5, $0x17;
	v45 =	vmul.f32 $1.428571490e-01, v44;
	v10 =	vmul.f32 v49, v46;
	v51 =	vpop (erf)  }
0x141: {  	v6 =	vadd.f32 v6, v43;
	v11 =	vadd.f32 $3.333333430e-01, v11;
	v12 =	vmul.f32 v51, v50  }
0x142: {  	v4 =	vcvt.s32.f32 v4;
	v48 =	vadd.f32 $2.000000030e-01, v45;
	v52 =	vmul.f32 v10, v10  }
0x143: {  	v2 =	vadd.s32 $0xFFFFFF81, v2;
	v47 =	vmul.f32 v11, v7;
	v14 =	vmul.f32 v12, v12  }
0x144: {  	v3 =	vadd.s32 v58, v3;
	v11 =	vmul.f32 v48, v44;
	v54 =	vmul.f32 $1.428571490e-01, v52  }
0x145: {  	v2 =	vcvt.s32.f32 v2;
	v7 =	vadd.f32 $1.000000000e+00, v47;
	v56 =	vmul.f32 $1.428571490e-01, v14  }
0x146: {  	v3 =	vadd.s32 $0xFFFFFF81, v3;
	v53 =	vadd.f32 $3.333333430e-01, v11;
	v11 =	vadd.f32 $2.000000030e-01, v54  }
0x147: {  	v4 =	vmul.f32 $6.931471820e-01, v4;
	v7 =	vmul.f32 v7, v9;
	v13 =	vadd.f32 $2.000000030e-01, v56  }
0x148: {  	v6 =	vsub.f32 v6, v1;
	v9 =	vmul.f32 v53, v44;
	v11 =	vmul.f32 v11, v52  }
0x149: {  	vm13 =	vmmov vm3;
	v8 =	vadd.f32 v8, v8;
	v13 =	vmul.f32 v13, v14  }
0x14a: {  	vm15 =	vmmov vm13;
	v9 =	vadd.f32 $1.000000000e+00, v9;
	v57 =	vadd.f32 $3.333333430e-01, v11  }
0x14b: {  	v3 =	vcvt.s32.f32 v3;
	vm0 =	vmmov vm15;
	v59 =	vadd.f32 $3.333333430e-01, v13  }
0x14c: {  	v61 =	vsel vm0, $0x1, v0;
	v8 =	vmul.f32 v9, v8;
	v9 =	vmul.f32 v57, v52  }
0x14d: {  	v2 =	vmul.f32 $6.931471820e-01, v2;
	v5 =	vadd.s32 v61, v60;
	v11 =	vmul.f32 v59, v14  }
0x14e: {  	v5 =	vadd.s32 $0xFFFFFF81, v5;
	v10 =	vadd.f32 v10, v10;
	v9 =	vadd.f32 $1.000000000e+00, v9  }
0x14f: {  	v5 =	vcvt.s32.f32 v5;
	v12 =	vadd.f32 v12, v12;
	v11 =	vadd.f32 $1.000000000e+00, v11  }
0x150: {  	v3 =	vmul.f32 $6.931471820e-01, v3;
	v4 =	vadd.f32 v7, v4;
	v62 =	vmul.f32 v9, v10  }
0x151: {  	v5 =	vmul.f32 $6.931471820e-01, v5;
	v2 =	vadd.f32 v8, v2;
	v63 =	vmul.f32 v11, v12  }
0x152: {  	v4 =	vsub.f32 v4, v1;
	v3 =	vadd.f32 v62, v3  }
0x153: {  	[tilespmem:s25+$0xFC00] =	vst v6;
	v2 =	vsub.f32 v2, v1;
	v5 =	vadd.f32 v63, v5  }
0x154: {  	[tilespmem:s26+$0xFC00] =	vst v4;
	v3 =	vsub.f32 v3, v1  }
0x155: {  	s24 =	sadd.s32 $0x1, s24;
	[tilespmem:s28+$0xFC00] =	vst v2;
	v1 =	vsub.f32 v5, v1  }
0x156: {  	p1 =	sne.s32 s24, s11;
	[tilespmem:s29+$0xFC00] =	vst v3  }
.Ltmp4:
0x157: {  	[tilespmem:s30+$0xFC00] =	vst v1;
	(pc) =	sbr.rel @p1 .LBB2_1-.Ltmp4, $4  }
0x158: {  	[hbm4b:s10+s4] =	stream.linear.scatter [tilespmem:s23], [sflag:$0x4], $0x200, $0x38;
	[tilespmem:$0xFE10] =	vst v63  }
0x159: {  	_ =	swait.ge [sflag:s13], $0x200  }
0x15a: {  	[sflag:s13] =	ssyncset.done $0x0  }
0x15b: {  	[sflag:s13] =	ssyncadd.s32 $0xFFFFFE00  }
0x15c: {  	_ =	sfence.sel $0x180000  }
0x15d: {  	[bflag:$0x0] =	sbarrier.arrive $0xFFFF  }
0x15e: {  	_ =	strace $0x90000047  }
0x15f: {  	[bflag:$0x2] =	sbarrier.arrive $0xFFFF  }
0x160: {  	p0 =	sne.s32 s2, $0x0;
	s0 =	rddreg [dreg:$0x4]  }
0x161: {  	s0 =	sadd.s32 @!p0 $0x100000, s0  }
0x162: {  	[sflag:s0] =	ssyncadd.tile.s32 @!p0 $0x1;
	_ =	shalt  }
.Lfunc_end2:
_tile_overlayer_lowered:
.L_overlay_start_2:
0x163: {  	(tag) =	ssettag $0x2  }
0x164: {  	s0 =	rddreg [dreg:$0x0];
	s2 =	stileid.u32  }
0x165: {  	s1 =	rddreg [dreg:$0x1];
	p0 =	sne.s32 s2, $0x0  }
0x166: {  	s3 =	rddreg [dreg:$0x2];
	[bflag:$0x3] =	sbarrier.arrive $0xFFFF;
	s2 =	simm.s32 @!p0 $0x1C04  }
0x167: {  	[timem:s3], [sflag:s2] =	dma.local @!p0 [hbm:s0], s1  }
0x168: {  	s0 =	simm.s32 @!p0 $0x4  }
0x169: {  	_ =	swait.ge @!p0 [sflag:s0], s1  }
0x16a: {  	s1 =	ssub.s32 @!p0 $0x0, s1;
	[sflag:s0] =	ssyncset.done @!p0 $0x0  }
0x16b: {  	[sflag:s0] =	ssyncadd.s32 @!p0 s1  }
0x16c: {  	[bflag:$0x3] =	sbarrier.arrive $0xFFFF  }
0x16d: {  	_ =	shalt  }

</sc_bundles>
